<compile_context>
chip_gen: v7x
topology: tpu7x:2x2x1
jax: 0.10.2.dev20260603
libtpu: 0.0.44.dev20260713+nightly
codegen_flags: <defaults>
</compile_context>

<pallas_src>
import functools

import jax
import jax.numpy as jnp
from jax import lax
from jax.experimental import pallas as pl
from jax.experimental.pallas import tpu as pltpu
from jax.experimental.pallas import tpu_sc as plsc

BATCH = 4096
FIELDS = 26
DIM = 64
NC = 2
NS = 16
NW = NC * NS
BW = BATCH // NW
DT = DIM // 8
NBUF = 13

_mesh = plsc.VectorSubcoreMesh(
    core_axis_name="c", subcore_axis_name="s", num_cores=NC, num_subcores=NS
)


@functools.partial(
    pl.kernel,
    out_type=jax.ShapeDtypeStruct((FIELDS, DT, NW, 8, BW), jnp.float32),
    mesh=_mesh,
    scratch_types=[
        pltpu.VMEM((FIELDS, BW), jnp.int32),
        pltpu.VMEM((NBUF, BW, DIM), jnp.float32),
        pltpu.VMEM((2, DIM, BW + 1), jnp.float32),
        pltpu.SemaphoreType.DMA((NBUF,)),
        pltpu.SemaphoreType.DMA((2,)),
    ],
    compiler_params=pltpu.CompilerParams(
        use_tc_tiling_on_sc=False, needs_layout_passes=False
    ),
)
def _sc_gather(idx_hbm, table_hbm, out_hbm, idx_v, rows_v, rt_v, gsem, ssem):
    wid = lax.axis_index("s") * NC + lax.axis_index("c")
    pltpu.sync_copy(idx_hbm.at[wid], idx_v)
    iota16 = lax.iota(jnp.int32, 16)
    dvecs = [iota16 + d0 * 16 for d0 in range(DIM // 16)]

    def gather(f, side):
        return pltpu.async_copy(
            table_hbm.at[idx_v.at[f]], rows_v.at[side], gsem.at[side]
        )

    def wait_gather(side):
        pltpu.make_async_copy(
            table_hbm.at[idx_v.at[0]], rows_v.at[side], gsem.at[side]
        ).wait()

    def fire_stores(f, side):
        for dt in range(DT):
            pltpu.async_copy(
                rt_v.at[side, pl.ds(dt * 8, 8), pl.ds(0, BW)],
                out_hbm.at[f, dt, wid],
                ssem.at[side],
            )

    def wait_stores(side):
        for dt in range(DT):
            pltpu.make_async_copy(
                rt_v.at[side, pl.ds(dt * 8, 8), pl.ds(0, BW)],
                out_hbm.at[0, dt, wid],
                ssem.at[side],
            ).wait()

    def transpose(b_in, side):
        rows = rows_v.at[b_in]
        rt = rt_v.at[side]

        @plsc.parallel_loop(0, BW, unroll=8)
        def tb(b):
            for d0 in range(DIM // 16):
                v = rows[b, pl.ds(d0 * 16, 16)]
                plsc.store_scatter(rt, [dvecs[d0], jnp.full((16,), b, jnp.int32)], v)

    for b in range(NBUF):
        gather(b, b)

    def body(j, carry):
        b = j % NBUF
        side = j % 2
        wait_gather(b)

        @pl.when(j >= 2)
        def _():
            wait_stores(side)

        transpose(b, side)
        fire_stores(j, side)

        @pl.when(j + NBUF < FIELDS)
        def _():
            gather(j + NBUF, b)

        return carry

    lax.fori_loop(0, FIELDS, body, 0)
    wait_stores(0)
    wait_stores(1)


def kernel(x, table):
    idx = x.astype(jnp.int32).reshape(NW, BW, FIELDS).transpose(0, 2, 1)
    out = _sc_gather(idx, table)
    out = out.reshape(FIELDS, DT, NW, 8, BW)
    return out.transpose(2, 4, 0, 1, 3).reshape(BATCH, FIELDS, DIM)

# --- scband reference (transcript-rebuilt; emitter-appended) ---
"""Pipeline reference for scband-embedding-layer-33088428048666 (READ-ONLY COPY).

The authoritative reference and input builder live on the scoring server;
editing this copy changes nothing except your own understanding.
"""

import jax, jax.numpy as jnp
import numpy as np

NUM_CATEGORIES = 100000
EMBEDDING_DIM = 64
BATCH = 4096
FIELDS = 26

def setup_inputs(seed: int = 0) -> dict:
    key = jax.random.key(seed)
    k1, k2 = jax.random.split(key)
    x = jax.random.randint(k1, (BATCH, FIELDS), 0, NUM_CATEGORIES, dtype=jnp.int64 if jax.config.jax_enable_x64 else jnp.int32)
    table = jax.random.normal(k2, (NUM_CATEGORIES, EMBEDDING_DIM), dtype=jnp.float32)
    return {"x": x, "table": table}

def reference(x, table):
    # nn.Embedding with max_norm=None is a plain row gather
    return jnp.take(table, x, axis=0)

if __name__ == "__main__":
    import jax
    _d = setup_inputs()
    print(jax.jit(kernel)(*tuple(_d.values())))

</pallas_src>

<mosaic_0001>
#map = affine_map<(d0, d1) -> (0, 0, 0)>
#map1 = affine_map<(d0, d1) -> (0, 0)>
#map2 = affine_map<(d0, d1) -> (0, 0, 0, 0, 0)>
module attributes {stable_mosaic.version = 14 : i64} {
  func.func @_sc_gather(%arg0: i32, %arg1: i32, %arg2: memref<32x26x128xi32, #tpu.memory_space<hbm>>, %arg3: memref<100000x64xf32, #tpu.memory_space<hbm>>, %arg4: memref<26x8x32x8x128xf32, #tpu.memory_space<hbm>>, %arg5: memref<26x128xi32, #tpu.memory_space<vmem>>, %arg6: memref<13x128x64xf32, #tpu.memory_space<vmem>>, %arg7: memref<2x64x129xf32, #tpu.memory_space<vmem>>, %arg8: memref<13x!tpu.dma_semaphore, #tpu.memory_space<semaphore_mem>>, %arg9: memref<2x!tpu.dma_semaphore, #tpu.memory_space<semaphore_mem>>) attributes {dimension_semantics = [#tpu.dimension_semantics<core_parallel>, #tpu.dimension_semantics<subcore_parallel>], iteration_bounds = array<i64: 2, 16>, scalar_prefetch = 0 : i64, scratch_operands = 5 : i64, tpu.core_type = #tpu.core_type<sc_vector_subcore>, window_params = [{transform_indices = #map}, {transform_indices = #map1}, {transform_indices = #map2}]} {
    %mul3A = arith.constant 2 : i32
    %mul3A_0 = arith.muli %arg1, %mul3A : i32
    %add3A = arith.addi %mul3A_0, %arg0 : i32
    "tpu.region"() ({
      %run_scoped3A = tpu.sem_alloc : memref<!tpu.dma_semaphore, #tpu.memory_space<semaphore_mem>>
      %dma_start3A_563 = arith.constant 0 : i32
      %dma_start3A_564 = arith.constant 0 : i32
      %dma_start3A_565 = tpu.memref_slice %arg2[%add3A, %dma_start3A_563, %dma_start3A_564] : memref<32x26x128xi32, #tpu.memory_space<hbm>> -> memref<1x26x128xi32, #tpu.memory_space<hbm>>
      %dma_start3A_566 = tpu.memref_squeeze %dma_start3A_565 : memref<1x26x128xi32, #tpu.memory_space<hbm>> -> memref<26x128xi32, #tpu.memory_space<hbm>>
      %dma_start3A_567 = arith.constant 0 : i32
      %dma_start3A_568 = arith.constant 0 : i32
      %dma_start3A_569 = tpu.memref_slice %arg2[%add3A, %dma_start3A_567, %dma_start3A_568] : memref<32x26x128xi32, #tpu.memory_space<hbm>> -> memref<1x26x128xi32, #tpu.memory_space<hbm>>
      %dma_start3A_570 = tpu.memref_squeeze %dma_start3A_569 : memref<1x26x128xi32, #tpu.memory_space<hbm>> -> memref<26x128xi32, #tpu.memory_space<hbm>>
      tpu.enqueue_dma source(%dma_start3A_570 : memref<26x128xi32, #tpu.memory_space<hbm>>) target(%arg5 : memref<26x128xi32, #tpu.memory_space<vmem>>) target_semaphore(%run_scoped3A : memref<!tpu.dma_semaphore, #tpu.memory_space<semaphore_mem>>)
      %dma_wait3A_571 = arith.constant 0 : i32
      %dma_wait3A_572 = arith.constant 0 : i32
      %dma_wait3A_573 = tpu.memref_slice %arg2[%add3A, %dma_wait3A_571, %dma_wait3A_572] : memref<32x26x128xi32, #tpu.memory_space<hbm>> -> memref<1x26x128xi32, #tpu.memory_space<hbm>>
      %dma_wait3A_574 = tpu.memref_squeeze %dma_wait3A_573 : memref<1x26x128xi32, #tpu.memory_space<hbm>> -> memref<26x128xi32, #tpu.memory_space<hbm>>
      %dma_wait3A_575 = arith.constant 0 : i32
      %dma_wait3A_576 = arith.constant 0 : i32
      %dma_wait3A_577 = tpu.memref_slice %arg2[%add3A, %dma_wait3A_575, %dma_wait3A_576] : memref<32x26x128xi32, #tpu.memory_space<hbm>> -> memref<1x26x128xi32, #tpu.memory_space<hbm>>
      %dma_wait3A_578 = tpu.memref_squeeze %dma_wait3A_577 : memref<1x26x128xi32, #tpu.memory_space<hbm>> -> memref<26x128xi32, #tpu.memory_space<hbm>>
      tpu.wait_dma2 semaphore(%run_scoped3A : memref<!tpu.dma_semaphore, #tpu.memory_space<semaphore_mem>>) src(%dma_wait3A_578 : memref<26x128xi32, #tpu.memory_space<hbm>>) dst(%arg5 : memref<26x128xi32, #tpu.memory_space<vmem>>)
      tpu.yield
    }) : () -> ()
    %iota3A = tpu.iota {dimensions = array<i32: 0>} : vector<16xi32>
    %add3A_1 = arith.constant 0 : i32
    %add3A_2 = vector.broadcast %add3A_1 : i32 to vector<16xi32>
    %add3A_3 = arith.addi %iota3A, %add3A_2 : vector<16xi32>
    %add3A_4 = arith.constant 16 : i32
    %add3A_5 = vector.broadcast %add3A_4 : i32 to vector<16xi32>
    %add3A_6 = arith.addi %iota3A, %add3A_5 : vector<16xi32>
    %add3A_7 = arith.constant 32 : i32
    %add3A_8 = vector.broadcast %add3A_7 : i32 to vector<16xi32>
    %add3A_9 = arith.addi %iota3A, %add3A_8 : vector<16xi32>
    %add3A_10 = arith.constant 48 : i32
    %add3A_11 = vector.broadcast %add3A_10 : i32 to vector<16xi32>
    %add3A_12 = arith.addi %iota3A, %add3A_11 : vector<16xi32>
    %dma_start3A = arith.constant 0 : i32
    %dma_start3A_13 = arith.constant 0 : i32
    %dma_start3A_14 = arith.constant 0 : i32
    %dma_start3A_15 = arith.constant 0 : i32
    %dma_start3A_16 = arith.constant 0 : i32
    %dma_start3A_17 = tpu.memref_slice %arg6[%dma_start3A_13, %dma_start3A_15, %dma_start3A_16] : memref<13x128x64xf32, #tpu.memory_space<vmem>> -> memref<1x128x64xf32, #tpu.memory_space<vmem>>
    %dma_start3A_18 = tpu.memref_squeeze %dma_start3A_17 : memref<1x128x64xf32, #tpu.memory_space<vmem>> -> memref<128x64xf32, #tpu.memory_space<vmem>>
    %dma_start3A_19 = arith.constant 0 : i32
    %dma_start3A_20 = tpu.memref_slice %arg5[%dma_start3A, %dma_start3A_19] : memref<26x128xi32, #tpu.memory_space<vmem>> -> memref<1x128xi32, #tpu.memory_space<vmem>>
    %dma_start3A_21 = tpu.memref_squeeze %dma_start3A_20 : memref<1x128xi32, #tpu.memory_space<vmem>> -> memref<128xi32, #tpu.memory_space<vmem>>
    %dma_start3A_22 = arith.constant 0 : i32
    %dma_start3A_23 = arith.constant 0 : i32
    %dma_start3A_24 = tpu.memref_slice %arg3[%dma_start3A_22, %dma_start3A_23] : memref<100000x64xf32, #tpu.memory_space<hbm>> -> memref<100000x64xf32, #tpu.memory_space<hbm>>
    %dma_start3A_25 = tpu.memref_slice %arg8[%dma_start3A_14] : memref<13x!tpu.dma_semaphore, #tpu.memory_space<semaphore_mem>> -> memref<1x!tpu.dma_semaphore, #tpu.memory_space<semaphore_mem>>
    %dma_start3A_26 = tpu.memref_squeeze %dma_start3A_25 : memref<1x!tpu.dma_semaphore, #tpu.memory_space<semaphore_mem>> -> memref<!tpu.dma_semaphore, #tpu.memory_space<semaphore_mem>>
    tpu.enqueue_indirect_dma source(%dma_start3A_24 : memref<100000x64xf32, #tpu.memory_space<hbm>>) target(%dma_start3A_18 : memref<128x64xf32, #tpu.memory_space<vmem>>) offsets(%dma_start3A_21 : memref<128xi32, #tpu.memory_space<vmem>>) semaphore(%dma_start3A_26 : memref<!tpu.dma_semaphore, #tpu.memory_space<semaphore_mem>>)
    %dma_start3A_27 = arith.constant 1 : i32
    %dma_start3A_28 = arith.constant 1 : i32
    %dma_start3A_29 = arith.constant 1 : i32
    %dma_start3A_30 = arith.constant 0 : i32
    %dma_start3A_31 = arith.constant 0 : i32
    %dma_start3A_32 = tpu.memref_slice %arg6[%dma_start3A_28, %dma_start3A_30, %dma_start3A_31] : memref<13x128x64xf32, #tpu.memory_space<vmem>> -> memref<1x128x64xf32, #tpu.memory_space<vmem>>
    %dma_start3A_33 = tpu.memref_squeeze %dma_start3A_32 : memref<1x128x64xf32, #tpu.memory_space<vmem>> -> memref<128x64xf32, #tpu.memory_space<vmem>>
    %dma_start3A_34 = arith.constant 0 : i32
    %dma_start3A_35 = tpu.memref_slice %arg5[%dma_start3A_27, %dma_start3A_34] : memref<26x128xi32, #tpu.memory_space<vmem>> -> memref<1x128xi32, #tpu.memory_space<vmem>>
    %dma_start3A_36 = tpu.memref_squeeze %dma_start3A_35 : memref<1x128xi32, #tpu.memory_space<vmem>> -> memref<128xi32, #tpu.memory_space<vmem>>
    %dma_start3A_37 = arith.constant 0 : i32
    %dma_start3A_38 = arith.constant 0 : i32
    %dma_start3A_39 = tpu.memref_slice %arg3[%dma_start3A_37, %dma_start3A_38] : memref<100000x64xf32, #tpu.memory_space<hbm>> -> memref<100000x64xf32, #tpu.memory_space<hbm>>
    %dma_start3A_40 = tpu.memref_slice %arg8[%dma_start3A_29] : memref<13x!tpu.dma_semaphore, #tpu.memory_space<semaphore_mem>> -> memref<1x!tpu.dma_semaphore, #tpu.memory_space<semaphore_mem>>
    %dma_start3A_41 = tpu.memref_squeeze %dma_start3A_40 : memref<1x!tpu.dma_semaphore, #tpu.memory_space<semaphore_mem>> -> memref<!tpu.dma_semaphore, #tpu.memory_space<semaphore_mem>>
    tpu.enqueue_indirect_dma source(%dma_start3A_39 : memref<100000x64xf32, #tpu.memory_space<hbm>>) target(%dma_start3A_33 : memref<128x64xf32, #tpu.memory_space<vmem>>) offsets(%dma_start3A_36 : memref<128xi32, #tpu.memory_space<vmem>>) semaphore(%dma_start3A_41 : memref<!tpu.dma_semaphore, #tpu.memory_space<semaphore_mem>>)
    %dma_start3A_42 = arith.constant 2 : i32
    %dma_start3A_43 = arith.constant 2 : i32
    %dma_start3A_44 = arith.constant 2 : i32
    %dma_start3A_45 = arith.constant 0 : i32
    %dma_start3A_46 = arith.constant 0 : i32
    %dma_start3A_47 = tpu.memref_slice %arg6[%dma_start3A_43, %dma_start3A_45, %dma_start3A_46] : memref<13x128x64xf32, #tpu.memory_space<vmem>> -> memref<1x128x64xf32, #tpu.memory_space<vmem>>
    %dma_start3A_48 = tpu.memref_squeeze %dma_start3A_47 : memref<1x128x64xf32, #tpu.memory_space<vmem>> -> memref<128x64xf32, #tpu.memory_space<vmem>>
    %dma_start3A_49 = arith.constant 0 : i32
    %dma_start3A_50 = tpu.memref_slice %arg5[%dma_start3A_42, %dma_start3A_49] : memref<26x128xi32, #tpu.memory_space<vmem>> -> memref<1x128xi32, #tpu.memory_space<vmem>>
    %dma_start3A_51 = tpu.memref_squeeze %dma_start3A_50 : memref<1x128xi32, #tpu.memory_space<vmem>> -> memref<128xi32, #tpu.memory_space<vmem>>
    %dma_start3A_52 = arith.constant 0 : i32
    %dma_start3A_53 = arith.constant 0 : i32
    %dma_start3A_54 = tpu.memref_slice %arg3[%dma_start3A_52, %dma_start3A_53] : memref<100000x64xf32, #tpu.memory_space<hbm>> -> memref<100000x64xf32, #tpu.memory_space<hbm>>
    %dma_start3A_55 = tpu.memref_slice %arg8[%dma_start3A_44] : memref<13x!tpu.dma_semaphore, #tpu.memory_space<semaphore_mem>> -> memref<1x!tpu.dma_semaphore, #tpu.memory_space<semaphore_mem>>
    %dma_start3A_56 = tpu.memref_squeeze %dma_start3A_55 : memref<1x!tpu.dma_semaphore, #tpu.memory_space<semaphore_mem>> -> memref<!tpu.dma_semaphore, #tpu.memory_space<semaphore_mem>>
    tpu.enqueue_indirect_dma source(%dma_start3A_54 : memref<100000x64xf32, #tpu.memory_space<hbm>>) target(%dma_start3A_48 : memref<128x64xf32, #tpu.memory_space<vmem>>) offsets(%dma_start3A_51 : memref<128xi32, #tpu.memory_space<vmem>>) semaphore(%dma_start3A_56 : memref<!tpu.dma_semaphore, #tpu.memory_space<semaphore_mem>>)
    %dma_start3A_57 = arith.constant 3 : i32
    %dma_start3A_58 = arith.constant 3 : i32
    %dma_start3A_59 = arith.constant 3 : i32
    %dma_start3A_60 = arith.constant 0 : i32
    %dma_start3A_61 = arith.constant 0 : i32
    %dma_start3A_62 = tpu.memref_slice %arg6[%dma_start3A_58, %dma_start3A_60, %dma_start3A_61] : memref<13x128x64xf32, #tpu.memory_space<vmem>> -> memref<1x128x64xf32, #tpu.memory_space<vmem>>
    %dma_start3A_63 = tpu.memref_squeeze %dma_start3A_62 : memref<1x128x64xf32, #tpu.memory_space<vmem>> -> memref<128x64xf32, #tpu.memory_space<vmem>>
    %dma_start3A_64 = arith.constant 0 : i32
    %dma_start3A_65 = tpu.memref_slice %arg5[%dma_start3A_57, %dma_start3A_64] : memref<26x128xi32, #tpu.memory_space<vmem>> -> memref<1x128xi32, #tpu.memory_space<vmem>>
    %dma_start3A_66 = tpu.memref_squeeze %dma_start3A_65 : memref<1x128xi32, #tpu.memory_space<vmem>> -> memref<128xi32, #tpu.memory_space<vmem>>
    %dma_start3A_67 = arith.constant 0 : i32
    %dma_start3A_68 = arith.constant 0 : i32
    %dma_start3A_69 = tpu.memref_slice %arg3[%dma_start3A_67, %dma_start3A_68] : memref<100000x64xf32, #tpu.memory_space<hbm>> -> memref<100000x64xf32, #tpu.memory_space<hbm>>
    %dma_start3A_70 = tpu.memref_slice %arg8[%dma_start3A_59] : memref<13x!tpu.dma_semaphore, #tpu.memory_space<semaphore_mem>> -> memref<1x!tpu.dma_semaphore, #tpu.memory_space<semaphore_mem>>
    %dma_start3A_71 = tpu.memref_squeeze %dma_start3A_70 : memref<1x!tpu.dma_semaphore, #tpu.memory_space<semaphore_mem>> -> memref<!tpu.dma_semaphore, #tpu.memory_space<semaphore_mem>>
    tpu.enqueue_indirect_dma source(%dma_start3A_69 : memref<100000x64xf32, #tpu.memory_space<hbm>>) target(%dma_start3A_63 : memref<128x64xf32, #tpu.memory_space<vmem>>) offsets(%dma_start3A_66 : memref<128xi32, #tpu.memory_space<vmem>>) semaphore(%dma_start3A_71 : memref<!tpu.dma_semaphore, #tpu.memory_space<semaphore_mem>>)
    %dma_start3A_72 = arith.constant 4 : i32
    %dma_start3A_73 = arith.constant 4 : i32
    %dma_start3A_74 = arith.constant 4 : i32
    %dma_start3A_75 = arith.constant 0 : i32
    %dma_start3A_76 = arith.constant 0 : i32
    %dma_start3A_77 = tpu.memref_slice %arg6[%dma_start3A_73, %dma_start3A_75, %dma_start3A_76] : memref<13x128x64xf32, #tpu.memory_space<vmem>> -> memref<1x128x64xf32, #tpu.memory_space<vmem>>
    %dma_start3A_78 = tpu.memref_squeeze %dma_start3A_77 : memref<1x128x64xf32, #tpu.memory_space<vmem>> -> memref<128x64xf32, #tpu.memory_space<vmem>>
    %dma_start3A_79 = arith.constant 0 : i32
    %dma_start3A_80 = tpu.memref_slice %arg5[%dma_start3A_72, %dma_start3A_79] : memref<26x128xi32, #tpu.memory_space<vmem>> -> memref<1x128xi32, #tpu.memory_space<vmem>>
    %dma_start3A_81 = tpu.memref_squeeze %dma_start3A_80 : memref<1x128xi32, #tpu.memory_space<vmem>> -> memref<128xi32, #tpu.memory_space<vmem>>
    %dma_start3A_82 = arith.constant 0 : i32
    %dma_start3A_83 = arith.constant 0 : i32
    %dma_start3A_84 = tpu.memref_slice %arg3[%dma_start3A_82, %dma_start3A_83] : memref<100000x64xf32, #tpu.memory_space<hbm>> -> memref<100000x64xf32, #tpu.memory_space<hbm>>
    %dma_start3A_85 = tpu.memref_slice %arg8[%dma_start3A_74] : memref<13x!tpu.dma_semaphore, #tpu.memory_space<semaphore_mem>> -> memref<1x!tpu.dma_semaphore, #tpu.memory_space<semaphore_mem>>
    %dma_start3A_86 = tpu.memref_squeeze %dma_start3A_85 : memref<1x!tpu.dma_semaphore, #tpu.memory_space<semaphore_mem>> -> memref<!tpu.dma_semaphore, #tpu.memory_space<semaphore_mem>>
    tpu.enqueue_indirect_dma source(%dma_start3A_84 : memref<100000x64xf32, #tpu.memory_space<hbm>>) target(%dma_start3A_78 : memref<128x64xf32, #tpu.memory_space<vmem>>) offsets(%dma_start3A_81 : memref<128xi32, #tpu.memory_space<vmem>>) semaphore(%dma_start3A_86 : memref<!tpu.dma_semaphore, #tpu.memory_space<semaphore_mem>>)
    %dma_start3A_87 = arith.constant 5 : i32
    %dma_start3A_88 = arith.constant 5 : i32
    %dma_start3A_89 = arith.constant 5 : i32
    %dma_start3A_90 = arith.constant 0 : i32
    %dma_start3A_91 = arith.constant 0 : i32
    %dma_start3A_92 = tpu.memref_slice %arg6[%dma_start3A_88, %dma_start3A_90, %dma_start3A_91] : memref<13x128x64xf32, #tpu.memory_space<vmem>> -> memref<1x128x64xf32, #tpu.memory_space<vmem>>
    %dma_start3A_93 = tpu.memref_squeeze %dma_start3A_92 : memref<1x128x64xf32, #tpu.memory_space<vmem>> -> memref<128x64xf32, #tpu.memory_space<vmem>>
    %dma_start3A_94 = arith.constant 0 : i32
    %dma_start3A_95 = tpu.memref_slice %arg5[%dma_start3A_87, %dma_start3A_94] : memref<26x128xi32, #tpu.memory_space<vmem>> -> memref<1x128xi32, #tpu.memory_space<vmem>>
    %dma_start3A_96 = tpu.memref_squeeze %dma_start3A_95 : memref<1x128xi32, #tpu.memory_space<vmem>> -> memref<128xi32, #tpu.memory_space<vmem>>
    %dma_start3A_97 = arith.constant 0 : i32
    %dma_start3A_98 = arith.constant 0 : i32
    %dma_start3A_99 = tpu.memref_slice %arg3[%dma_start3A_97, %dma_start3A_98] : memref<100000x64xf32, #tpu.memory_space<hbm>> -> memref<100000x64xf32, #tpu.memory_space<hbm>>
    %dma_start3A_100 = tpu.memref_slice %arg8[%dma_start3A_89] : memref<13x!tpu.dma_semaphore, #tpu.memory_space<semaphore_mem>> -> memref<1x!tpu.dma_semaphore, #tpu.memory_space<semaphore_mem>>
    %dma_start3A_101 = tpu.memref_squeeze %dma_start3A_100 : memref<1x!tpu.dma_semaphore, #tpu.memory_space<semaphore_mem>> -> memref<!tpu.dma_semaphore, #tpu.memory_space<semaphore_mem>>
    tpu.enqueue_indirect_dma source(%dma_start3A_99 : memref<100000x64xf32, #tpu.memory_space<hbm>>) target(%dma_start3A_93 : memref<128x64xf32, #tpu.memory_space<vmem>>) offsets(%dma_start3A_96 : memref<128xi32, #tpu.memory_space<vmem>>) semaphore(%dma_start3A_101 : memref<!tpu.dma_semaphore, #tpu.memory_space<semaphore_mem>>)
    %dma_start3A_102 = arith.constant 6 : i32
    %dma_start3A_103 = arith.constant 6 : i32
    %dma_start3A_104 = arith.constant 6 : i32
    %dma_start3A_105 = arith.constant 0 : i32
    %dma_start3A_106 = arith.constant 0 : i32
    %dma_start3A_107 = tpu.memref_slice %arg6[%dma_start3A_103, %dma_start3A_105, %dma_start3A_106] : memref<13x128x64xf32, #tpu.memory_space<vmem>> -> memref<1x128x64xf32, #tpu.memory_space<vmem>>
    %dma_start3A_108 = tpu.memref_squeeze %dma_start3A_107 : memref<1x128x64xf32, #tpu.memory_space<vmem>> -> memref<128x64xf32, #tpu.memory_space<vmem>>
    %dma_start3A_109 = arith.constant 0 : i32
    %dma_start3A_110 = tpu.memref_slice %arg5[%dma_start3A_102, %dma_start3A_109] : memref<26x128xi32, #tpu.memory_space<vmem>> -> memref<1x128xi32, #tpu.memory_space<vmem>>
    %dma_start3A_111 = tpu.memref_squeeze %dma_start3A_110 : memref<1x128xi32, #tpu.memory_space<vmem>> -> memref<128xi32, #tpu.memory_space<vmem>>
    %dma_start3A_112 = arith.constant 0 : i32
    %dma_start3A_113 = arith.constant 0 : i32
    %dma_start3A_114 = tpu.memref_slice %arg3[%dma_start3A_112, %dma_start3A_113] : memref<100000x64xf32, #tpu.memory_space<hbm>> -> memref<100000x64xf32, #tpu.memory_space<hbm>>
    %dma_start3A_115 = tpu.memref_slice %arg8[%dma_start3A_104] : memref<13x!tpu.dma_semaphore, #tpu.memory_space<semaphore_mem>> -> memref<1x!tpu.dma_semaphore, #tpu.memory_space<semaphore_mem>>
    %dma_start3A_116 = tpu.memref_squeeze %dma_start3A_115 : memref<1x!tpu.dma_semaphore, #tpu.memory_space<semaphore_mem>> -> memref<!tpu.dma_semaphore, #tpu.memory_space<semaphore_mem>>
    tpu.enqueue_indirect_dma source(%dma_start3A_114 : memref<100000x64xf32, #tpu.memory_space<hbm>>) target(%dma_start3A_108 : memref<128x64xf32, #tpu.memory_space<vmem>>) offsets(%dma_start3A_111 : memref<128xi32, #tpu.memory_space<vmem>>) semaphore(%dma_start3A_116 : memref<!tpu.dma_semaphore, #tpu.memory_space<semaphore_mem>>)
    %dma_start3A_117 = arith.constant 7 : i32
    %dma_start3A_118 = arith.constant 7 : i32
    %dma_start3A_119 = arith.constant 7 : i32
    %dma_start3A_120 = arith.constant 0 : i32
    %dma_start3A_121 = arith.constant 0 : i32
    %dma_start3A_122 = tpu.memref_slice %arg6[%dma_start3A_118, %dma_start3A_120, %dma_start3A_121] : memref<13x128x64xf32, #tpu.memory_space<vmem>> -> memref<1x128x64xf32, #tpu.memory_space<vmem>>
    %dma_start3A_123 = tpu.memref_squeeze %dma_start3A_122 : memref<1x128x64xf32, #tpu.memory_space<vmem>> -> memref<128x64xf32, #tpu.memory_space<vmem>>
    %dma_start3A_124 = arith.constant 0 : i32
    %dma_start3A_125 = tpu.memref_slice %arg5[%dma_start3A_117, %dma_start3A_124] : memref<26x128xi32, #tpu.memory_space<vmem>> -> memref<1x128xi32, #tpu.memory_space<vmem>>
    %dma_start3A_126 = tpu.memref_squeeze %dma_start3A_125 : memref<1x128xi32, #tpu.memory_space<vmem>> -> memref<128xi32, #tpu.memory_space<vmem>>
    %dma_start3A_127 = arith.constant 0 : i32
    %dma_start3A_128 = arith.constant 0 : i32
    %dma_start3A_129 = tpu.memref_slice %arg3[%dma_start3A_127, %dma_start3A_128] : memref<100000x64xf32, #tpu.memory_space<hbm>> -> memref<100000x64xf32, #tpu.memory_space<hbm>>
    %dma_start3A_130 = tpu.memref_slice %arg8[%dma_start3A_119] : memref<13x!tpu.dma_semaphore, #tpu.memory_space<semaphore_mem>> -> memref<1x!tpu.dma_semaphore, #tpu.memory_space<semaphore_mem>>
    %dma_start3A_131 = tpu.memref_squeeze %dma_start3A_130 : memref<1x!tpu.dma_semaphore, #tpu.memory_space<semaphore_mem>> -> memref<!tpu.dma_semaphore, #tpu.memory_space<semaphore_mem>>
    tpu.enqueue_indirect_dma source(%dma_start3A_129 : memref<100000x64xf32, #tpu.memory_space<hbm>>) target(%dma_start3A_123 : memref<128x64xf32, #tpu.memory_space<vmem>>) offsets(%dma_start3A_126 : memref<128xi32, #tpu.memory_space<vmem>>) semaphore(%dma_start3A_131 : memref<!tpu.dma_semaphore, #tpu.memory_space<semaphore_mem>>)
    %dma_start3A_132 = arith.constant 8 : i32
    %dma_start3A_133 = arith.constant 8 : i32
    %dma_start3A_134 = arith.constant 8 : i32
    %dma_start3A_135 = arith.constant 0 : i32
    %dma_start3A_136 = arith.constant 0 : i32
    %dma_start3A_137 = tpu.memref_slice %arg6[%dma_start3A_133, %dma_start3A_135, %dma_start3A_136] : memref<13x128x64xf32, #tpu.memory_space<vmem>> -> memref<1x128x64xf32, #tpu.memory_space<vmem>>
    %dma_start3A_138 = tpu.memref_squeeze %dma_start3A_137 : memref<1x128x64xf32, #tpu.memory_space<vmem>> -> memref<128x64xf32, #tpu.memory_space<vmem>>
    %dma_start3A_139 = arith.constant 0 : i32
    %dma_start3A_140 = tpu.memref_slice %arg5[%dma_start3A_132, %dma_start3A_139] : memref<26x128xi32, #tpu.memory_space<vmem>> -> memref<1x128xi32, #tpu.memory_space<vmem>>
    %dma_start3A_141 = tpu.memref_squeeze %dma_start3A_140 : memref<1x128xi32, #tpu.memory_space<vmem>> -> memref<128xi32, #tpu.memory_space<vmem>>
    %dma_start3A_142 = arith.constant 0 : i32
    %dma_start3A_143 = arith.constant 0 : i32
    %dma_start3A_144 = tpu.memref_slice %arg3[%dma_start3A_142, %dma_start3A_143] : memref<100000x64xf32, #tpu.memory_space<hbm>> -> memref<100000x64xf32, #tpu.memory_space<hbm>>
    %dma_start3A_145 = tpu.memref_slice %arg8[%dma_start3A_134] : memref<13x!tpu.dma_semaphore, #tpu.memory_space<semaphore_mem>> -> memref<1x!tpu.dma_semaphore, #tpu.memory_space<semaphore_mem>>
    %dma_start3A_146 = tpu.memref_squeeze %dma_start3A_145 : memref<1x!tpu.dma_semaphore, #tpu.memory_space<semaphore_mem>> -> memref<!tpu.dma_semaphore, #tpu.memory_space<semaphore_mem>>
    tpu.enqueue_indirect_dma source(%dma_start3A_144 : memref<100000x64xf32, #tpu.memory_space<hbm>>) target(%dma_start3A_138 : memref<128x64xf32, #tpu.memory_space<vmem>>) offsets(%dma_start3A_141 : memref<128xi32, #tpu.memory_space<vmem>>) semaphore(%dma_start3A_146 : memref<!tpu.dma_semaphore, #tpu.memory_space<semaphore_mem>>)
    %dma_start3A_147 = arith.constant 9 : i32
    %dma_start3A_148 = arith.constant 9 : i32
    %dma_start3A_149 = arith.constant 9 : i32
    %dma_start3A_150 = arith.constant 0 : i32
    %dma_start3A_151 = arith.constant 0 : i32
    %dma_start3A_152 = tpu.memref_slice %arg6[%dma_start3A_148, %dma_start3A_150, %dma_start3A_151] : memref<13x128x64xf32, #tpu.memory_space<vmem>> -> memref<1x128x64xf32, #tpu.memory_space<vmem>>
    %dma_start3A_153 = tpu.memref_squeeze %dma_start3A_152 : memref<1x128x64xf32, #tpu.memory_space<vmem>> -> memref<128x64xf32, #tpu.memory_space<vmem>>
    %dma_start3A_154 = arith.constant 0 : i32
    %dma_start3A_155 = tpu.memref_slice %arg5[%dma_start3A_147, %dma_start3A_154] : memref<26x128xi32, #tpu.memory_space<vmem>> -> memref<1x128xi32, #tpu.memory_space<vmem>>
    %dma_start3A_156 = tpu.memref_squeeze %dma_start3A_155 : memref<1x128xi32, #tpu.memory_space<vmem>> -> memref<128xi32, #tpu.memory_space<vmem>>
    %dma_start3A_157 = arith.constant 0 : i32
    %dma_start3A_158 = arith.constant 0 : i32
    %dma_start3A_159 = tpu.memref_slice %arg3[%dma_start3A_157, %dma_start3A_158] : memref<100000x64xf32, #tpu.memory_space<hbm>> -> memref<100000x64xf32, #tpu.memory_space<hbm>>
    %dma_start3A_160 = tpu.memref_slice %arg8[%dma_start3A_149] : memref<13x!tpu.dma_semaphore, #tpu.memory_space<semaphore_mem>> -> memref<1x!tpu.dma_semaphore, #tpu.memory_space<semaphore_mem>>
    %dma_start3A_161 = tpu.memref_squeeze %dma_start3A_160 : memref<1x!tpu.dma_semaphore, #tpu.memory_space<semaphore_mem>> -> memref<!tpu.dma_semaphore, #tpu.memory_space<semaphore_mem>>
    tpu.enqueue_indirect_dma source(%dma_start3A_159 : memref<100000x64xf32, #tpu.memory_space<hbm>>) target(%dma_start3A_153 : memref<128x64xf32, #tpu.memory_space<vmem>>) offsets(%dma_start3A_156 : memref<128xi32, #tpu.memory_space<vmem>>) semaphore(%dma_start3A_161 : memref<!tpu.dma_semaphore, #tpu.memory_space<semaphore_mem>>)
    %dma_start3A_162 = arith.constant 10 : i32
    %dma_start3A_163 = arith.constant 10 : i32
    %dma_start3A_164 = arith.constant 10 : i32
    %dma_start3A_165 = arith.constant 0 : i32
    %dma_start3A_166 = arith.constant 0 : i32
    %dma_start3A_167 = tpu.memref_slice %arg6[%dma_start3A_163, %dma_start3A_165, %dma_start3A_166] : memref<13x128x64xf32, #tpu.memory_space<vmem>> -> memref<1x128x64xf32, #tpu.memory_space<vmem>>
    %dma_start3A_168 = tpu.memref_squeeze %dma_start3A_167 : memref<1x128x64xf32, #tpu.memory_space<vmem>> -> memref<128x64xf32, #tpu.memory_space<vmem>>
    %dma_start3A_169 = arith.constant 0 : i32
    %dma_start3A_170 = tpu.memref_slice %arg5[%dma_start3A_162, %dma_start3A_169] : memref<26x128xi32, #tpu.memory_space<vmem>> -> memref<1x128xi32, #tpu.memory_space<vmem>>
    %dma_start3A_171 = tpu.memref_squeeze %dma_start3A_170 : memref<1x128xi32, #tpu.memory_space<vmem>> -> memref<128xi32, #tpu.memory_space<vmem>>
    %dma_start3A_172 = arith.constant 0 : i32
    %dma_start3A_173 = arith.constant 0 : i32
    %dma_start3A_174 = tpu.memref_slice %arg3[%dma_start3A_172, %dma_start3A_173] : memref<100000x64xf32, #tpu.memory_space<hbm>> -> memref<100000x64xf32, #tpu.memory_space<hbm>>
    %dma_start3A_175 = tpu.memref_slice %arg8[%dma_start3A_164] : memref<13x!tpu.dma_semaphore, #tpu.memory_space<semaphore_mem>> -> memref<1x!tpu.dma_semaphore, #tpu.memory_space<semaphore_mem>>
    %dma_start3A_176 = tpu.memref_squeeze %dma_start3A_175 : memref<1x!tpu.dma_semaphore, #tpu.memory_space<semaphore_mem>> -> memref<!tpu.dma_semaphore, #tpu.memory_space<semaphore_mem>>
    tpu.enqueue_indirect_dma source(%dma_start3A_174 : memref<100000x64xf32, #tpu.memory_space<hbm>>) target(%dma_start3A_168 : memref<128x64xf32, #tpu.memory_space<vmem>>) offsets(%dma_start3A_171 : memref<128xi32, #tpu.memory_space<vmem>>) semaphore(%dma_start3A_176 : memref<!tpu.dma_semaphore, #tpu.memory_space<semaphore_mem>>)
    %dma_start3A_177 = arith.constant 11 : i32
    %dma_start3A_178 = arith.constant 11 : i32
    %dma_start3A_179 = arith.constant 11 : i32
    %dma_start3A_180 = arith.constant 0 : i32
    %dma_start3A_181 = arith.constant 0 : i32
    %dma_start3A_182 = tpu.memref_slice %arg6[%dma_start3A_178, %dma_start3A_180, %dma_start3A_181] : memref<13x128x64xf32, #tpu.memory_space<vmem>> -> memref<1x128x64xf32, #tpu.memory_space<vmem>>
    %dma_start3A_183 = tpu.memref_squeeze %dma_start3A_182 : memref<1x128x64xf32, #tpu.memory_space<vmem>> -> memref<128x64xf32, #tpu.memory_space<vmem>>
    %dma_start3A_184 = arith.constant 0 : i32
    %dma_start3A_185 = tpu.memref_slice %arg5[%dma_start3A_177, %dma_start3A_184] : memref<26x128xi32, #tpu.memory_space<vmem>> -> memref<1x128xi32, #tpu.memory_space<vmem>>
    %dma_start3A_186 = tpu.memref_squeeze %dma_start3A_185 : memref<1x128xi32, #tpu.memory_space<vmem>> -> memref<128xi32, #tpu.memory_space<vmem>>
    %dma_start3A_187 = arith.constant 0 : i32
    %dma_start3A_188 = arith.constant 0 : i32
    %dma_start3A_189 = tpu.memref_slice %arg3[%dma_start3A_187, %dma_start3A_188] : memref<100000x64xf32, #tpu.memory_space<hbm>> -> memref<100000x64xf32, #tpu.memory_space<hbm>>
    %dma_start3A_190 = tpu.memref_slice %arg8[%dma_start3A_179] : memref<13x!tpu.dma_semaphore, #tpu.memory_space<semaphore_mem>> -> memref<1x!tpu.dma_semaphore, #tpu.memory_space<semaphore_mem>>
    %dma_start3A_191 = tpu.memref_squeeze %dma_start3A_190 : memref<1x!tpu.dma_semaphore, #tpu.memory_space<semaphore_mem>> -> memref<!tpu.dma_semaphore, #tpu.memory_space<semaphore_mem>>
    tpu.enqueue_indirect_dma source(%dma_start3A_189 : memref<100000x64xf32, #tpu.memory_space<hbm>>) target(%dma_start3A_183 : memref<128x64xf32, #tpu.memory_space<vmem>>) offsets(%dma_start3A_186 : memref<128xi32, #tpu.memory_space<vmem>>) semaphore(%dma_start3A_191 : memref<!tpu.dma_semaphore, #tpu.memory_space<semaphore_mem>>)
    %dma_start3A_192 = arith.constant 12 : i32
    %dma_start3A_193 = arith.constant 12 : i32
    %dma_start3A_194 = arith.constant 12 : i32
    %dma_start3A_195 = arith.constant 0 : i32
    %dma_start3A_196 = arith.constant 0 : i32
    %dma_start3A_197 = tpu.memref_slice %arg6[%dma_start3A_193, %dma_start3A_195, %dma_start3A_196] : memref<13x128x64xf32, #tpu.memory_space<vmem>> -> memref<1x128x64xf32, #tpu.memory_space<vmem>>
    %dma_start3A_198 = tpu.memref_squeeze %dma_start3A_197 : memref<1x128x64xf32, #tpu.memory_space<vmem>> -> memref<128x64xf32, #tpu.memory_space<vmem>>
    %dma_start3A_199 = arith.constant 0 : i32
    %dma_start3A_200 = tpu.memref_slice %arg5[%dma_start3A_192, %dma_start3A_199] : memref<26x128xi32, #tpu.memory_space<vmem>> -> memref<1x128xi32, #tpu.memory_space<vmem>>
    %dma_start3A_201 = tpu.memref_squeeze %dma_start3A_200 : memref<1x128xi32, #tpu.memory_space<vmem>> -> memref<128xi32, #tpu.memory_space<vmem>>
    %dma_start3A_202 = arith.constant 0 : i32
    %dma_start3A_203 = arith.constant 0 : i32
    %dma_start3A_204 = tpu.memref_slice %arg3[%dma_start3A_202, %dma_start3A_203] : memref<100000x64xf32, #tpu.memory_space<hbm>> -> memref<100000x64xf32, #tpu.memory_space<hbm>>
    %dma_start3A_205 = tpu.memref_slice %arg8[%dma_start3A_194] : memref<13x!tpu.dma_semaphore, #tpu.memory_space<semaphore_mem>> -> memref<1x!tpu.dma_semaphore, #tpu.memory_space<semaphore_mem>>
    %dma_start3A_206 = tpu.memref_squeeze %dma_start3A_205 : memref<1x!tpu.dma_semaphore, #tpu.memory_space<semaphore_mem>> -> memref<!tpu.dma_semaphore, #tpu.memory_space<semaphore_mem>>
    tpu.enqueue_indirect_dma source(%dma_start3A_204 : memref<100000x64xf32, #tpu.memory_space<hbm>>) target(%dma_start3A_198 : memref<128x64xf32, #tpu.memory_space<vmem>>) offsets(%dma_start3A_201 : memref<128xi32, #tpu.memory_space<vmem>>) semaphore(%dma_start3A_206 : memref<!tpu.dma_semaphore, #tpu.memory_space<semaphore_mem>>)
    %scan3A = arith.constant 0 : i32
    %scan3A_207 = arith.constant 0 : i32
    %scan3A_208 = arith.constant 26 : i32
    %scan3A_209 = arith.addi %scan3A_207, %scan3A_208 : i32
    %scan3A_210 = arith.constant 1 : i32
    scf.for %scan3A_563 = %scan3A_207 to %scan3A_209 step %scan3A_210  : i32 {
      %jit3A = arith.constant 13 : i32
      %eq3A = arith.constant 0 : i32
      %eq3A_564 = arith.cmpi eq, %jit3A, %eq3A : i32
      %jit3A_565 = arith.constant 1 : i32
      %select_n3A = arith.select %eq3A_564, %jit3A_565, %jit3A : i32
      %rem3A = arith.remsi %scan3A_563, %select_n3A : i32
      %ne3A = arith.constant 0 : i32
      %ne3A_566 = arith.cmpi ne, %rem3A, %ne3A : i32
      %lt3A = arith.constant 0 : i32
      %lt3A_567 = arith.cmpi slt, %rem3A, %lt3A : i32
      %lt3A_568 = arith.constant 0 : i32
      %lt3A_569 = arith.cmpi slt, %select_n3A, %lt3A_568 : i32
      %ne3A_570 = arith.xori %lt3A_567, %lt3A_569 : i1
      %and3A = arith.andi %ne3A_570, %ne3A_566 : i1
      %add3A_571 = arith.addi %rem3A, %select_n3A : i32
      %select_n3A_572 = arith.select %and3A, %add3A_571, %rem3A : i32
      %jit3A_573 = arith.constant 2 : i32
      %eq3A_574 = arith.constant 0 : i32
      %eq3A_575 = arith.cmpi eq, %jit3A_573, %eq3A_574 : i32
      %jit3A_576 = arith.constant 1 : i32
      %select_n3A_577 = arith.select %eq3A_575, %jit3A_576, %jit3A_573 : i32
      %rem3A_578 = arith.remsi %scan3A_563, %select_n3A_577 : i32
      %ne3A_579 = arith.constant 0 : i32
      %ne3A_580 = arith.cmpi ne, %rem3A_578, %ne3A_579 : i32
      %lt3A_581 = arith.constant 0 : i32
      %lt3A_582 = arith.cmpi slt, %rem3A_578, %lt3A_581 : i32
      %lt3A_583 = arith.constant 0 : i32
      %lt3A_584 = arith.cmpi slt, %select_n3A_577, %lt3A_583 : i32
      %ne3A_585 = arith.xori %lt3A_582, %lt3A_584 : i1
      %and3A_586 = arith.andi %ne3A_585, %ne3A_580 : i1
      %add3A_587 = arith.addi %rem3A_578, %select_n3A_577 : i32
      %select_n3A_588 = arith.select %and3A_586, %add3A_587, %rem3A_578 : i32
      %dma_wait3A_589 = arith.constant 0 : i32
      %dma_wait3A_590 = arith.constant 0 : i32
      %dma_wait3A_591 = arith.constant 0 : i32
      %dma_wait3A_592 = tpu.memref_slice %arg6[%select_n3A_572, %dma_wait3A_590, %dma_wait3A_591] : memref<13x128x64xf32, #tpu.memory_space<vmem>> -> memref<1x128x64xf32, #tpu.memory_space<vmem>>
      %dma_wait3A_593 = tpu.memref_squeeze %dma_wait3A_592 : memref<1x128x64xf32, #tpu.memory_space<vmem>> -> memref<128x64xf32, #tpu.memory_space<vmem>>
      %dma_wait3A_594 = arith.constant 0 : i32
      %dma_wait3A_595 = tpu.memref_slice %arg5[%dma_wait3A_589, %dma_wait3A_594] : memref<26x128xi32, #tpu.memory_space<vmem>> -> memref<1x128xi32, #tpu.memory_space<vmem>>
      %dma_wait3A_596 = tpu.memref_squeeze %dma_wait3A_595 : memref<1x128xi32, #tpu.memory_space<vmem>> -> memref<128xi32, #tpu.memory_space<vmem>>
      %dma_wait3A_597 = arith.constant 0 : i32
      %dma_wait3A_598 = arith.constant 0 : i32
      %dma_wait3A_599 = tpu.memref_slice %arg3[%dma_wait3A_597, %dma_wait3A_598] : memref<100000x64xf32, #tpu.memory_space<hbm>> -> memref<100000x64xf32, #tpu.memory_space<hbm>>
      %dma_wait3A_600 = tpu.memref_slice %arg8[%select_n3A_572] : memref<13x!tpu.dma_semaphore, #tpu.memory_space<semaphore_mem>> -> memref<1x!tpu.dma_semaphore, #tpu.memory_space<semaphore_mem>>
      %dma_wait3A_601 = tpu.memref_squeeze %dma_wait3A_600 : memref<1x!tpu.dma_semaphore, #tpu.memory_space<semaphore_mem>> -> memref<!tpu.dma_semaphore, #tpu.memory_space<semaphore_mem>>
      tpu.wait_indirect_dma semaphore(%dma_wait3A_601 : memref<!tpu.dma_semaphore, #tpu.memory_space<semaphore_mem>>) src(%dma_wait3A_599 : memref<100000x64xf32, #tpu.memory_space<hbm>>) dst(%dma_wait3A_593 : memref<128x64xf32, #tpu.memory_space<vmem>>)
      %ge3A = arith.constant 2 : i32
      %ge3A_602 = arith.cmpi sge, %scan3A_563, %ge3A : i32
      %convert_element_type3A = arith.extui %ge3A_602 : i1 to i32
      %cond3A = arith.constant 0 : i32
      %cond3A_603 = arith.cmpi ne, %convert_element_type3A, %cond3A : i32
      scf.if %cond3A_603 {
        %dma_wait3A_765 = arith.constant 0 : i32
        %dma_wait3A_766 = arith.constant 0 : i32
        %dma_wait3A_767 = arith.constant 0 : i32
        %dma_wait3A_768 = arith.constant 0 : i32
        %dma_wait3A_769 = tpu.memref_slice %arg7[%select_n3A_588, %dma_wait3A_767, %dma_wait3A_768] : memref<2x64x129xf32, #tpu.memory_space<vmem>> -> memref<1x8x128xf32, #tpu.memory_space<vmem>>
        %dma_wait3A_770 = tpu.memref_squeeze %dma_wait3A_769 : memref<1x8x128xf32, #tpu.memory_space<vmem>> -> memref<8x128xf32, #tpu.memory_space<vmem>>
        %dma_wait3A_771 = arith.constant 0 : i32
        %dma_wait3A_772 = arith.constant 0 : i32
        %dma_wait3A_773 = tpu.memref_slice %arg4[%dma_wait3A_765, %dma_wait3A_766, %add3A, %dma_wait3A_771, %dma_wait3A_772] : memref<26x8x32x8x128xf32, #tpu.memory_space<hbm>> -> memref<1x1x1x8x128xf32, #tpu.memory_space<hbm>>
        %dma_wait3A_774 = tpu.memref_squeeze %dma_wait3A_773 : memref<1x1x1x8x128xf32, #tpu.memory_space<hbm>> -> memref<8x128xf32, #tpu.memory_space<hbm>>
        %dma_wait3A_775 = tpu.memref_slice %arg9[%select_n3A_588] : memref<2x!tpu.dma_semaphore, #tpu.memory_space<semaphore_mem>> -> memref<1x!tpu.dma_semaphore, #tpu.memory_space<semaphore_mem>>
        %dma_wait3A_776 = tpu.memref_squeeze %dma_wait3A_775 : memref<1x!tpu.dma_semaphore, #tpu.memory_space<semaphore_mem>> -> memref<!tpu.dma_semaphore, #tpu.memory_space<semaphore_mem>>
        %dma_wait3A_777 = arith.constant 0 : i32
        %dma_wait3A_778 = arith.constant 0 : i32
        %dma_wait3A_779 = tpu.memref_slice %arg4[%dma_wait3A_765, %dma_wait3A_766, %add3A, %dma_wait3A_777, %dma_wait3A_778] : memref<26x8x32x8x128xf32, #tpu.memory_space<hbm>> -> memref<1x1x1x8x128xf32, #tpu.memory_space<hbm>>
        %dma_wait3A_780 = tpu.memref_squeeze %dma_wait3A_779 : memref<1x1x1x8x128xf32, #tpu.memory_space<hbm>> -> memref<8x128xf32, #tpu.memory_space<hbm>>
        %dma_wait3A_781 = arith.constant 0 : i32
        %dma_wait3A_782 = arith.constant 0 : i32
        %dma_wait3A_783 = tpu.memref_slice %arg7[%select_n3A_588, %dma_wait3A_781, %dma_wait3A_782] : memref<2x64x129xf32, #tpu.memory_space<vmem>> -> memref<1x8x128xf32, #tpu.memory_space<vmem>>
        %dma_wait3A_784 = tpu.memref_squeeze %dma_wait3A_783 : memref<1x8x128xf32, #tpu.memory_space<vmem>> -> memref<8x128xf32, #tpu.memory_space<vmem>>
        tpu.wait_dma2 semaphore(%dma_wait3A_776 : memref<!tpu.dma_semaphore, #tpu.memory_space<semaphore_mem>>) src(%dma_wait3A_784 : memref<8x128xf32, #tpu.memory_space<vmem>>) dst(%dma_wait3A_780 : memref<8x128xf32, #tpu.memory_space<hbm>>)
        %dma_wait3A_785 = arith.constant 0 : i32
        %dma_wait3A_786 = arith.constant 1 : i32
        %dma_wait3A_787 = arith.constant 8 : i32
        %dma_wait3A_788 = arith.constant 0 : i32
        %dma_wait3A_789 = tpu.memref_slice %arg7[%select_n3A_588, %dma_wait3A_787, %dma_wait3A_788] : memref<2x64x129xf32, #tpu.memory_space<vmem>> -> memref<1x8x128xf32, #tpu.memory_space<vmem>>
        %dma_wait3A_790 = tpu.memref_squeeze %dma_wait3A_789 : memref<1x8x128xf32, #tpu.memory_space<vmem>> -> memref<8x128xf32, #tpu.memory_space<vmem>>
        %dma_wait3A_791 = arith.constant 0 : i32
        %dma_wait3A_792 = arith.constant 0 : i32
        %dma_wait3A_793 = tpu.memref_slice %arg4[%dma_wait3A_785, %dma_wait3A_786, %add3A, %dma_wait3A_791, %dma_wait3A_792] : memref<26x8x32x8x128xf32, #tpu.memory_space<hbm>> -> memref<1x1x1x8x128xf32, #tpu.memory_space<hbm>>
        %dma_wait3A_794 = tpu.memref_squeeze %dma_wait3A_793 : memref<1x1x1x8x128xf32, #tpu.memory_space<hbm>> -> memref<8x128xf32, #tpu.memory_space<hbm>>
        %dma_wait3A_795 = tpu.memref_slice %arg9[%select_n3A_588] : memref<2x!tpu.dma_semaphore, #tpu.memory_space<semaphore_mem>> -> memref<1x!tpu.dma_semaphore, #tpu.memory_space<semaphore_mem>>
        %dma_wait3A_796 = tpu.memref_squeeze %dma_wait3A_795 : memref<1x!tpu.dma_semaphore, #tpu.memory_space<semaphore_mem>> -> memref<!tpu.dma_semaphore, #tpu.memory_space<semaphore_mem>>
        %dma_wait3A_797 = arith.constant 0 : i32
        %dma_wait3A_798 = arith.constant 0 : i32
        %dma_wait3A_799 = tpu.memref_slice %arg4[%dma_wait3A_785, %dma_wait3A_786, %add3A, %dma_wait3A_797, %dma_wait3A_798] : memref<26x8x32x8x128xf32, #tpu.memory_space<hbm>> -> memref<1x1x1x8x128xf32, #tpu.memory_space<hbm>>
        %dma_wait3A_800 = tpu.memref_squeeze %dma_wait3A_799 : memref<1x1x1x8x128xf32, #tpu.memory_space<hbm>> -> memref<8x128xf32, #tpu.memory_space<hbm>>
        %dma_wait3A_801 = arith.constant 8 : i32
        %dma_wait3A_802 = arith.constant 0 : i32
        %dma_wait3A_803 = tpu.memref_slice %arg7[%select_n3A_588, %dma_wait3A_801, %dma_wait3A_802] : memref<2x64x129xf32, #tpu.memory_space<vmem>> -> memref<1x8x128xf32, #tpu.memory_space<vmem>>
        %dma_wait3A_804 = tpu.memref_squeeze %dma_wait3A_803 : memref<1x8x128xf32, #tpu.memory_space<vmem>> -> memref<8x128xf32, #tpu.memory_space<vmem>>
        tpu.wait_dma2 semaphore(%dma_wait3A_796 : memref<!tpu.dma_semaphore, #tpu.memory_space<semaphore_mem>>) src(%dma_wait3A_804 : memref<8x128xf32, #tpu.memory_space<vmem>>) dst(%dma_wait3A_800 : memref<8x128xf32, #tpu.memory_space<hbm>>)
        %dma_wait3A_805 = arith.constant 0 : i32
        %dma_wait3A_806 = arith.constant 2 : i32
        %dma_wait3A_807 = arith.constant 16 : i32
        %dma_wait3A_808 = arith.constant 0 : i32
        %dma_wait3A_809 = tpu.memref_slice %arg7[%select_n3A_588, %dma_wait3A_807, %dma_wait3A_808] : memref<2x64x129xf32, #tpu.memory_space<vmem>> -> memref<1x8x128xf32, #tpu.memory_space<vmem>>
        %dma_wait3A_810 = tpu.memref_squeeze %dma_wait3A_809 : memref<1x8x128xf32, #tpu.memory_space<vmem>> -> memref<8x128xf32, #tpu.memory_space<vmem>>
        %dma_wait3A_811 = arith.constant 0 : i32
        %dma_wait3A_812 = arith.constant 0 : i32
        %dma_wait3A_813 = tpu.memref_slice %arg4[%dma_wait3A_805, %dma_wait3A_806, %add3A, %dma_wait3A_811, %dma_wait3A_812] : memref<26x8x32x8x128xf32, #tpu.memory_space<hbm>> -> memref<1x1x1x8x128xf32, #tpu.memory_space<hbm>>
        %dma_wait3A_814 = tpu.memref_squeeze %dma_wait3A_813 : memref<1x1x1x8x128xf32, #tpu.memory_space<hbm>> -> memref<8x128xf32, #tpu.memory_space<hbm>>
        %dma_wait3A_815 = tpu.memref_slice %arg9[%select_n3A_588] : memref<2x!tpu.dma_semaphore, #tpu.memory_space<semaphore_mem>> -> memref<1x!tpu.dma_semaphore, #tpu.memory_space<semaphore_mem>>
        %dma_wait3A_816 = tpu.memref_squeeze %dma_wait3A_815 : memref<1x!tpu.dma_semaphore, #tpu.memory_space<semaphore_mem>> -> memref<!tpu.dma_semaphore, #tpu.memory_space<semaphore_mem>>
        %dma_wait3A_817 = arith.constant 0 : i32
        %dma_wait3A_818 = arith.constant 0 : i32
        %dma_wait3A_819 = tpu.memref_slice %arg4[%dma_wait3A_805, %dma_wait3A_806, %add3A, %dma_wait3A_817, %dma_wait3A_818] : memref<26x8x32x8x128xf32, #tpu.memory_space<hbm>> -> memref<1x1x1x8x128xf32, #tpu.memory_space<hbm>>
        %dma_wait3A_820 = tpu.memref_squeeze %dma_wait3A_819 : memref<1x1x1x8x128xf32, #tpu.memory_space<hbm>> -> memref<8x128xf32, #tpu.memory_space<hbm>>
        %dma_wait3A_821 = arith.constant 16 : i32
        %dma_wait3A_822 = arith.constant 0 : i32
        %dma_wait3A_823 = tpu.memref_slice %arg7[%select_n3A_588, %dma_wait3A_821, %dma_wait3A_822] : memref<2x64x129xf32, #tpu.memory_space<vmem>> -> memref<1x8x128xf32, #tpu.memory_space<vmem>>
        %dma_wait3A_824 = tpu.memref_squeeze %dma_wait3A_823 : memref<1x8x128xf32, #tpu.memory_space<vmem>> -> memref<8x128xf32, #tpu.memory_space<vmem>>
        tpu.wait_dma2 semaphore(%dma_wait3A_816 : memref<!tpu.dma_semaphore, #tpu.memory_space<semaphore_mem>>) src(%dma_wait3A_824 : memref<8x128xf32, #tpu.memory_space<vmem>>) dst(%dma_wait3A_820 : memref<8x128xf32, #tpu.memory_space<hbm>>)
        %dma_wait3A_825 = arith.constant 0 : i32
        %dma_wait3A_826 = arith.constant 3 : i32
        %dma_wait3A_827 = arith.constant 24 : i32
        %dma_wait3A_828 = arith.constant 0 : i32
        %dma_wait3A_829 = tpu.memref_slice %arg7[%select_n3A_588, %dma_wait3A_827, %dma_wait3A_828] : memref<2x64x129xf32, #tpu.memory_space<vmem>> -> memref<1x8x128xf32, #tpu.memory_space<vmem>>
        %dma_wait3A_830 = tpu.memref_squeeze %dma_wait3A_829 : memref<1x8x128xf32, #tpu.memory_space<vmem>> -> memref<8x128xf32, #tpu.memory_space<vmem>>
        %dma_wait3A_831 = arith.constant 0 : i32
        %dma_wait3A_832 = arith.constant 0 : i32
        %dma_wait3A_833 = tpu.memref_slice %arg4[%dma_wait3A_825, %dma_wait3A_826, %add3A, %dma_wait3A_831, %dma_wait3A_832] : memref<26x8x32x8x128xf32, #tpu.memory_space<hbm>> -> memref<1x1x1x8x128xf32, #tpu.memory_space<hbm>>
        %dma_wait3A_834 = tpu.memref_squeeze %dma_wait3A_833 : memref<1x1x1x8x128xf32, #tpu.memory_space<hbm>> -> memref<8x128xf32, #tpu.memory_space<hbm>>
        %dma_wait3A_835 = tpu.memref_slice %arg9[%select_n3A_588] : memref<2x!tpu.dma_semaphore, #tpu.memory_space<semaphore_mem>> -> memref<1x!tpu.dma_semaphore, #tpu.memory_space<semaphore_mem>>
        %dma_wait3A_836 = tpu.memref_squeeze %dma_wait3A_835 : memref<1x!tpu.dma_semaphore, #tpu.memory_space<semaphore_mem>> -> memref<!tpu.dma_semaphore, #tpu.memory_space<semaphore_mem>>
        %dma_wait3A_837 = arith.constant 0 : i32
        %dma_wait3A_838 = arith.constant 0 : i32
        %dma_wait3A_839 = tpu.memref_slice %arg4[%dma_wait3A_825, %dma_wait3A_826, %add3A, %dma_wait3A_837, %dma_wait3A_838] : memref<26x8x32x8x128xf32, #tpu.memory_space<hbm>> -> memref<1x1x1x8x128xf32, #tpu.memory_space<hbm>>
        %dma_wait3A_840 = tpu.memref_squeeze %dma_wait3A_839 : memref<1x1x1x8x128xf32, #tpu.memory_space<hbm>> -> memref<8x128xf32, #tpu.memory_space<hbm>>
        %dma_wait3A_841 = arith.constant 24 : i32
        %dma_wait3A_842 = arith.constant 0 : i32
        %dma_wait3A_843 = tpu.memref_slice %arg7[%select_n3A_588, %dma_wait3A_841, %dma_wait3A_842] : memref<2x64x129xf32, #tpu.memory_space<vmem>> -> memref<1x8x128xf32, #tpu.memory_space<vmem>>
        %dma_wait3A_844 = tpu.memref_squeeze %dma_wait3A_843 : memref<1x8x128xf32, #tpu.memory_space<vmem>> -> memref<8x128xf32, #tpu.memory_space<vmem>>
        tpu.wait_dma2 semaphore(%dma_wait3A_836 : memref<!tpu.dma_semaphore, #tpu.memory_space<semaphore_mem>>) src(%dma_wait3A_844 : memref<8x128xf32, #tpu.memory_space<vmem>>) dst(%dma_wait3A_840 : memref<8x128xf32, #tpu.memory_space<hbm>>)
        %dma_wait3A_845 = arith.constant 0 : i32
        %dma_wait3A_846 = arith.constant 4 : i32
        %dma_wait3A_847 = arith.constant 32 : i32
        %dma_wait3A_848 = arith.constant 0 : i32
        %dma_wait3A_849 = tpu.memref_slice %arg7[%select_n3A_588, %dma_wait3A_847, %dma_wait3A_848] : memref<2x64x129xf32, #tpu.memory_space<vmem>> -> memref<1x8x128xf32, #tpu.memory_space<vmem>>
        %dma_wait3A_850 = tpu.memref_squeeze %dma_wait3A_849 : memref<1x8x128xf32, #tpu.memory_space<vmem>> -> memref<8x128xf32, #tpu.memory_space<vmem>>
        %dma_wait3A_851 = arith.constant 0 : i32
        %dma_wait3A_852 = arith.constant 0 : i32
        %dma_wait3A_853 = tpu.memref_slice %arg4[%dma_wait3A_845, %dma_wait3A_846, %add3A, %dma_wait3A_851, %dma_wait3A_852] : memref<26x8x32x8x128xf32, #tpu.memory_space<hbm>> -> memref<1x1x1x8x128xf32, #tpu.memory_space<hbm>>
        %dma_wait3A_854 = tpu.memref_squeeze %dma_wait3A_853 : memref<1x1x1x8x128xf32, #tpu.memory_space<hbm>> -> memref<8x128xf32, #tpu.memory_space<hbm>>
        %dma_wait3A_855 = tpu.memref_slice %arg9[%select_n3A_588] : memref<2x!tpu.dma_semaphore, #tpu.memory_space<semaphore_mem>> -> memref<1x!tpu.dma_semaphore, #tpu.memory_space<semaphore_mem>>
        %dma_wait3A_856 = tpu.memref_squeeze %dma_wait3A_855 : memref<1x!tpu.dma_semaphore, #tpu.memory_space<semaphore_mem>> -> memref<!tpu.dma_semaphore, #tpu.memory_space<semaphore_mem>>
        %dma_wait3A_857 = arith.constant 0 : i32
        %dma_wait3A_858 = arith.constant 0 : i32
        %dma_wait3A_859 = tpu.memref_slice %arg4[%dma_wait3A_845, %dma_wait3A_846, %add3A, %dma_wait3A_857, %dma_wait3A_858] : memref<26x8x32x8x128xf32, #tpu.memory_space<hbm>> -> memref<1x1x1x8x128xf32, #tpu.memory_space<hbm>>
        %dma_wait3A_860 = tpu.memref_squeeze %dma_wait3A_859 : memref<1x1x1x8x128xf32, #tpu.memory_space<hbm>> -> memref<8x128xf32, #tpu.memory_space<hbm>>
        %dma_wait3A_861 = arith.constant 32 : i32
        %dma_wait3A_862 = arith.constant 0 : i32
        %dma_wait3A_863 = tpu.memref_slice %arg7[%select_n3A_588, %dma_wait3A_861, %dma_wait3A_862] : memref<2x64x129xf32, #tpu.memory_space<vmem>> -> memref<1x8x128xf32, #tpu.memory_space<vmem>>
        %dma_wait3A_864 = tpu.memref_squeeze %dma_wait3A_863 : memref<1x8x128xf32, #tpu.memory_space<vmem>> -> memref<8x128xf32, #tpu.memory_space<vmem>>
        tpu.wait_dma2 semaphore(%dma_wait3A_856 : memref<!tpu.dma_semaphore, #tpu.memory_space<semaphore_mem>>) src(%dma_wait3A_864 : memref<8x128xf32, #tpu.memory_space<vmem>>) dst(%dma_wait3A_860 : memref<8x128xf32, #tpu.memory_space<hbm>>)
        %dma_wait3A_865 = arith.constant 0 : i32
        %dma_wait3A_866 = arith.constant 5 : i32
        %dma_wait3A_867 = arith.constant 40 : i32
        %dma_wait3A_868 = arith.constant 0 : i32
        %dma_wait3A_869 = tpu.memref_slice %arg7[%select_n3A_588, %dma_wait3A_867, %dma_wait3A_868] : memref<2x64x129xf32, #tpu.memory_space<vmem>> -> memref<1x8x128xf32, #tpu.memory_space<vmem>>
        %dma_wait3A_870 = tpu.memref_squeeze %dma_wait3A_869 : memref<1x8x128xf32, #tpu.memory_space<vmem>> -> memref<8x128xf32, #tpu.memory_space<vmem>>
        %dma_wait3A_871 = arith.constant 0 : i32
        %dma_wait3A_872 = arith.constant 0 : i32
        %dma_wait3A_873 = tpu.memref_slice %arg4[%dma_wait3A_865, %dma_wait3A_866, %add3A, %dma_wait3A_871, %dma_wait3A_872] : memref<26x8x32x8x128xf32, #tpu.memory_space<hbm>> -> memref<1x1x1x8x128xf32, #tpu.memory_space<hbm>>
        %dma_wait3A_874 = tpu.memref_squeeze %dma_wait3A_873 : memref<1x1x1x8x128xf32, #tpu.memory_space<hbm>> -> memref<8x128xf32, #tpu.memory_space<hbm>>
        %dma_wait3A_875 = tpu.memref_slice %arg9[%select_n3A_588] : memref<2x!tpu.dma_semaphore, #tpu.memory_space<semaphore_mem>> -> memref<1x!tpu.dma_semaphore, #tpu.memory_space<semaphore_mem>>
        %dma_wait3A_876 = tpu.memref_squeeze %dma_wait3A_875 : memref<1x!tpu.dma_semaphore, #tpu.memory_space<semaphore_mem>> -> memref<!tpu.dma_semaphore, #tpu.memory_space<semaphore_mem>>
        %dma_wait3A_877 = arith.constant 0 : i32
        %dma_wait3A_878 = arith.constant 0 : i32
        %dma_wait3A_879 = tpu.memref_slice %arg4[%dma_wait3A_865, %dma_wait3A_866, %add3A, %dma_wait3A_877, %dma_wait3A_878] : memref<26x8x32x8x128xf32, #tpu.memory_space<hbm>> -> memref<1x1x1x8x128xf32, #tpu.memory_space<hbm>>
        %dma_wait3A_880 = tpu.memref_squeeze %dma_wait3A_879 : memref<1x1x1x8x128xf32, #tpu.memory_space<hbm>> -> memref<8x128xf32, #tpu.memory_space<hbm>>
        %dma_wait3A_881 = arith.constant 40 : i32
        %dma_wait3A_882 = arith.constant 0 : i32
        %dma_wait3A_883 = tpu.memref_slice %arg7[%select_n3A_588, %dma_wait3A_881, %dma_wait3A_882] : memref<2x64x129xf32, #tpu.memory_space<vmem>> -> memref<1x8x128xf32, #tpu.memory_space<vmem>>
        %dma_wait3A_884 = tpu.memref_squeeze %dma_wait3A_883 : memref<1x8x128xf32, #tpu.memory_space<vmem>> -> memref<8x128xf32, #tpu.memory_space<vmem>>
        tpu.wait_dma2 semaphore(%dma_wait3A_876 : memref<!tpu.dma_semaphore, #tpu.memory_space<semaphore_mem>>) src(%dma_wait3A_884 : memref<8x128xf32, #tpu.memory_space<vmem>>) dst(%dma_wait3A_880 : memref<8x128xf32, #tpu.memory_space<hbm>>)
        %dma_wait3A_885 = arith.constant 0 : i32
        %dma_wait3A_886 = arith.constant 6 : i32
        %dma_wait3A_887 = arith.constant 48 : i32
        %dma_wait3A_888 = arith.constant 0 : i32
        %dma_wait3A_889 = tpu.memref_slice %arg7[%select_n3A_588, %dma_wait3A_887, %dma_wait3A_888] : memref<2x64x129xf32, #tpu.memory_space<vmem>> -> memref<1x8x128xf32, #tpu.memory_space<vmem>>
        %dma_wait3A_890 = tpu.memref_squeeze %dma_wait3A_889 : memref<1x8x128xf32, #tpu.memory_space<vmem>> -> memref<8x128xf32, #tpu.memory_space<vmem>>
        %dma_wait3A_891 = arith.constant 0 : i32
        %dma_wait3A_892 = arith.constant 0 : i32
        %dma_wait3A_893 = tpu.memref_slice %arg4[%dma_wait3A_885, %dma_wait3A_886, %add3A, %dma_wait3A_891, %dma_wait3A_892] : memref<26x8x32x8x128xf32, #tpu.memory_space<hbm>> -> memref<1x1x1x8x128xf32, #tpu.memory_space<hbm>>
        %dma_wait3A_894 = tpu.memref_squeeze %dma_wait3A_893 : memref<1x1x1x8x128xf32, #tpu.memory_space<hbm>> -> memref<8x128xf32, #tpu.memory_space<hbm>>
        %dma_wait3A_895 = tpu.memref_slice %arg9[%select_n3A_588] : memref<2x!tpu.dma_semaphore, #tpu.memory_space<semaphore_mem>> -> memref<1x!tpu.dma_semaphore, #tpu.memory_space<semaphore_mem>>
        %dma_wait3A_896 = tpu.memref_squeeze %dma_wait3A_895 : memref<1x!tpu.dma_semaphore, #tpu.memory_space<semaphore_mem>> -> memref<!tpu.dma_semaphore, #tpu.memory_space<semaphore_mem>>
        %dma_wait3A_897 = arith.constant 0 : i32
        %dma_wait3A_898 = arith.constant 0 : i32
        %dma_wait3A_899 = tpu.memref_slice %arg4[%dma_wait3A_885, %dma_wait3A_886, %add3A, %dma_wait3A_897, %dma_wait3A_898] : memref<26x8x32x8x128xf32, #tpu.memory_space<hbm>> -> memref<1x1x1x8x128xf32, #tpu.memory_space<hbm>>
        %dma_wait3A_900 = tpu.memref_squeeze %dma_wait3A_899 : memref<1x1x1x8x128xf32, #tpu.memory_space<hbm>> -> memref<8x128xf32, #tpu.memory_space<hbm>>
        %dma_wait3A_901 = arith.constant 48 : i32
        %dma_wait3A_902 = arith.constant 0 : i32
        %dma_wait3A_903 = tpu.memref_slice %arg7[%select_n3A_588, %dma_wait3A_901, %dma_wait3A_902] : memref<2x64x129xf32, #tpu.memory_space<vmem>> -> memref<1x8x128xf32, #tpu.memory_space<vmem>>
        %dma_wait3A_904 = tpu.memref_squeeze %dma_wait3A_903 : memref<1x8x128xf32, #tpu.memory_space<vmem>> -> memref<8x128xf32, #tpu.memory_space<vmem>>
        tpu.wait_dma2 semaphore(%dma_wait3A_896 : memref<!tpu.dma_semaphore, #tpu.memory_space<semaphore_mem>>) src(%dma_wait3A_904 : memref<8x128xf32, #tpu.memory_space<vmem>>) dst(%dma_wait3A_900 : memref<8x128xf32, #tpu.memory_space<hbm>>)
        %dma_wait3A_905 = arith.constant 0 : i32
        %dma_wait3A_906 = arith.constant 7 : i32
        %dma_wait3A_907 = arith.constant 56 : i32
        %dma_wait3A_908 = arith.constant 0 : i32
        %dma_wait3A_909 = tpu.memref_slice %arg7[%select_n3A_588, %dma_wait3A_907, %dma_wait3A_908] : memref<2x64x129xf32, #tpu.memory_space<vmem>> -> memref<1x8x128xf32, #tpu.memory_space<vmem>>
        %dma_wait3A_910 = tpu.memref_squeeze %dma_wait3A_909 : memref<1x8x128xf32, #tpu.memory_space<vmem>> -> memref<8x128xf32, #tpu.memory_space<vmem>>
        %dma_wait3A_911 = arith.constant 0 : i32
        %dma_wait3A_912 = arith.constant 0 : i32
        %dma_wait3A_913 = tpu.memref_slice %arg4[%dma_wait3A_905, %dma_wait3A_906, %add3A, %dma_wait3A_911, %dma_wait3A_912] : memref<26x8x32x8x128xf32, #tpu.memory_space<hbm>> -> memref<1x1x1x8x128xf32, #tpu.memory_space<hbm>>
        %dma_wait3A_914 = tpu.memref_squeeze %dma_wait3A_913 : memref<1x1x1x8x128xf32, #tpu.memory_space<hbm>> -> memref<8x128xf32, #tpu.memory_space<hbm>>
        %dma_wait3A_915 = tpu.memref_slice %arg9[%select_n3A_588] : memref<2x!tpu.dma_semaphore, #tpu.memory_space<semaphore_mem>> -> memref<1x!tpu.dma_semaphore, #tpu.memory_space<semaphore_mem>>
        %dma_wait3A_916 = tpu.memref_squeeze %dma_wait3A_915 : memref<1x!tpu.dma_semaphore, #tpu.memory_space<semaphore_mem>> -> memref<!tpu.dma_semaphore, #tpu.memory_space<semaphore_mem>>
        %dma_wait3A_917 = arith.constant 0 : i32
        %dma_wait3A_918 = arith.constant 0 : i32
        %dma_wait3A_919 = tpu.memref_slice %arg4[%dma_wait3A_905, %dma_wait3A_906, %add3A, %dma_wait3A_917, %dma_wait3A_918] : memref<26x8x32x8x128xf32, #tpu.memory_space<hbm>> -> memref<1x1x1x8x128xf32, #tpu.memory_space<hbm>>
        %dma_wait3A_920 = tpu.memref_squeeze %dma_wait3A_919 : memref<1x1x1x8x128xf32, #tpu.memory_space<hbm>> -> memref<8x128xf32, #tpu.memory_space<hbm>>
        %dma_wait3A_921 = arith.constant 56 : i32
        %dma_wait3A_922 = arith.constant 0 : i32
        %dma_wait3A_923 = tpu.memref_slice %arg7[%select_n3A_588, %dma_wait3A_921, %dma_wait3A_922] : memref<2x64x129xf32, #tpu.memory_space<vmem>> -> memref<1x8x128xf32, #tpu.memory_space<vmem>>
        %dma_wait3A_924 = tpu.memref_squeeze %dma_wait3A_923 : memref<1x8x128xf32, #tpu.memory_space<vmem>> -> memref<8x128xf32, #tpu.memory_space<vmem>>
        tpu.wait_dma2 semaphore(%dma_wait3A_916 : memref<!tpu.dma_semaphore, #tpu.memory_space<semaphore_mem>>) src(%dma_wait3A_924 : memref<8x128xf32, #tpu.memory_space<vmem>>) dst(%dma_wait3A_920 : memref<8x128xf32, #tpu.memory_space<hbm>>)
      } else {
      }
      %parallel_loop3A = arith.constant 0 : i32
      %parallel_loop3A_604 = arith.constant 128 : i32
      %parallel_loop3A_605 = arith.constant 1 : i32
      scf.for %parallel_loop3A_765 = %parallel_loop3A to %parallel_loop3A_604 step %parallel_loop3A_605  : i32 {
        %parallel_loop3A_766 = arith.constant 0 : i32
        %parallel_loop3A_767 = arith.constant 0 : i32
        %parallel_loop3A_768 = tpu.memref_slice %arg6[%select_n3A_572, %parallel_loop3A_766, %parallel_loop3A_767] : memref<13x128x64xf32, #tpu.memory_space<vmem>> -> memref<1x128x64xf32, #tpu.memory_space<vmem>>
        %parallel_loop3A_769 = tpu.memref_squeeze %parallel_loop3A_768 : memref<1x128x64xf32, #tpu.memory_space<vmem>> -> memref<128x64xf32, #tpu.memory_space<vmem>>
        %parallel_loop3A_770 = arith.index_cast %parallel_loop3A_765 : i32 to index
        %parallel_loop3A_771 = arith.constant 0 : index
        %parallel_loop3A_772 = tpu.vector_load %parallel_loop3A_769[%parallel_loop3A_770, %parallel_loop3A_771] {strides = array<i32>} : memref<128x64xf32, #tpu.memory_space<vmem>>, vector<16xf32>,
        %parallel_loop3A_773 = vector.broadcast %parallel_loop3A_765 : i32 to vector<16xi32>
        %parallel_loop3A_774 = arith.constant 0 : i32
        %parallel_loop3A_775 = arith.constant 0 : i32
        %parallel_loop3A_776 = tpu.memref_slice %arg7[%select_n3A_588, %parallel_loop3A_774, %parallel_loop3A_775] : memref<2x64x129xf32, #tpu.memory_space<vmem>> -> memref<1x64x129xf32, #tpu.memory_space<vmem>>
        %parallel_loop3A_777 = tpu.memref_squeeze %parallel_loop3A_776 : memref<1x64x129xf32, #tpu.memory_space<vmem>> -> memref<64x129xf32, #tpu.memory_space<vmem>>
        tpu.vector_store_idx %parallel_loop3A_777[%add3A_3, %parallel_loop3A_773], %parallel_loop3A_772 : memref<64x129xf32, #tpu.memory_space<vmem>>[vector<16xi32>, vector<16xi32>], vector<16xf32>,
        %parallel_loop3A_778 = arith.constant 0 : i32
        %parallel_loop3A_779 = arith.constant 0 : i32
        %parallel_loop3A_780 = tpu.memref_slice %arg6[%select_n3A_572, %parallel_loop3A_778, %parallel_loop3A_779] : memref<13x128x64xf32, #tpu.memory_space<vmem>> -> memref<1x128x64xf32, #tpu.memory_space<vmem>>
        %parallel_loop3A_781 = tpu.memref_squeeze %parallel_loop3A_780 : memref<1x128x64xf32, #tpu.memory_space<vmem>> -> memref<128x64xf32, #tpu.memory_space<vmem>>
        %parallel_loop3A_782 = arith.index_cast %parallel_loop3A_765 : i32 to index
        %parallel_loop3A_783 = arith.constant 16 : index
        %parallel_loop3A_784 = tpu.vector_load %parallel_loop3A_781[%parallel_loop3A_782, %parallel_loop3A_783] {strides = array<i32>} : memref<128x64xf32, #tpu.memory_space<vmem>>, vector<16xf32>,
        %parallel_loop3A_785 = vector.broadcast %parallel_loop3A_765 : i32 to vector<16xi32>
        %parallel_loop3A_786 = arith.constant 0 : i32
        %parallel_loop3A_787 = arith.constant 0 : i32
        %parallel_loop3A_788 = tpu.memref_slice %arg7[%select_n3A_588, %parallel_loop3A_786, %parallel_loop3A_787] : memref<2x64x129xf32, #tpu.memory_space<vmem>> -> memref<1x64x129xf32, #tpu.memory_space<vmem>>
        %parallel_loop3A_789 = tpu.memref_squeeze %parallel_loop3A_788 : memref<1x64x129xf32, #tpu.memory_space<vmem>> -> memref<64x129xf32, #tpu.memory_space<vmem>>
        tpu.vector_store_idx %parallel_loop3A_789[%add3A_6, %parallel_loop3A_785], %parallel_loop3A_784 : memref<64x129xf32, #tpu.memory_space<vmem>>[vector<16xi32>, vector<16xi32>], vector<16xf32>,
        %parallel_loop3A_790 = arith.constant 0 : i32
        %parallel_loop3A_791 = arith.constant 0 : i32
        %parallel_loop3A_792 = tpu.memref_slice %arg6[%select_n3A_572, %parallel_loop3A_790, %parallel_loop3A_791] : memref<13x128x64xf32, #tpu.memory_space<vmem>> -> memref<1x128x64xf32, #tpu.memory_space<vmem>>
        %parallel_loop3A_793 = tpu.memref_squeeze %parallel_loop3A_792 : memref<1x128x64xf32, #tpu.memory_space<vmem>> -> memref<128x64xf32, #tpu.memory_space<vmem>>
        %parallel_loop3A_794 = arith.index_cast %parallel_loop3A_765 : i32 to index
        %parallel_loop3A_795 = arith.constant 32 : index
        %parallel_loop3A_796 = tpu.vector_load %parallel_loop3A_793[%parallel_loop3A_794, %parallel_loop3A_795] {strides = array<i32>} : memref<128x64xf32, #tpu.memory_space<vmem>>, vector<16xf32>,
        %parallel_loop3A_797 = vector.broadcast %parallel_loop3A_765 : i32 to vector<16xi32>
        %parallel_loop3A_798 = arith.constant 0 : i32
        %parallel_loop3A_799 = arith.constant 0 : i32
        %parallel_loop3A_800 = tpu.memref_slice %arg7[%select_n3A_588, %parallel_loop3A_798, %parallel_loop3A_799] : memref<2x64x129xf32, #tpu.memory_space<vmem>> -> memref<1x64x129xf32, #tpu.memory_space<vmem>>
        %parallel_loop3A_801 = tpu.memref_squeeze %parallel_loop3A_800 : memref<1x64x129xf32, #tpu.memory_space<vmem>> -> memref<64x129xf32, #tpu.memory_space<vmem>>
        tpu.vector_store_idx %parallel_loop3A_801[%add3A_9, %parallel_loop3A_797], %parallel_loop3A_796 : memref<64x129xf32, #tpu.memory_space<vmem>>[vector<16xi32>, vector<16xi32>], vector<16xf32>,
        %parallel_loop3A_802 = arith.constant 0 : i32
        %parallel_loop3A_803 = arith.constant 0 : i32
        %parallel_loop3A_804 = tpu.memref_slice %arg6[%select_n3A_572, %parallel_loop3A_802, %parallel_loop3A_803] : memref<13x128x64xf32, #tpu.memory_space<vmem>> -> memref<1x128x64xf32, #tpu.memory_space<vmem>>
        %parallel_loop3A_805 = tpu.memref_squeeze %parallel_loop3A_804 : memref<1x128x64xf32, #tpu.memory_space<vmem>> -> memref<128x64xf32, #tpu.memory_space<vmem>>
        %parallel_loop3A_806 = arith.index_cast %parallel_loop3A_765 : i32 to index
        %parallel_loop3A_807 = arith.constant 48 : index
        %parallel_loop3A_808 = tpu.vector_load %parallel_loop3A_805[%parallel_loop3A_806, %parallel_loop3A_807] {strides = array<i32>} : memref<128x64xf32, #tpu.memory_space<vmem>>, vector<16xf32>,
        %parallel_loop3A_809 = vector.broadcast %parallel_loop3A_765 : i32 to vector<16xi32>
        %parallel_loop3A_810 = arith.constant 0 : i32
        %parallel_loop3A_811 = arith.constant 0 : i32
        %parallel_loop3A_812 = tpu.memref_slice %arg7[%select_n3A_588, %parallel_loop3A_810, %parallel_loop3A_811] : memref<2x64x129xf32, #tpu.memory_space<vmem>> -> memref<1x64x129xf32, #tpu.memory_space<vmem>>
        %parallel_loop3A_813 = tpu.memref_squeeze %parallel_loop3A_812 : memref<1x64x129xf32, #tpu.memory_space<vmem>> -> memref<64x129xf32, #tpu.memory_space<vmem>>
        tpu.vector_store_idx %parallel_loop3A_813[%add3A_12, %parallel_loop3A_809], %parallel_loop3A_808 : memref<64x129xf32, #tpu.memory_space<vmem>>[vector<16xi32>, vector<16xi32>], vector<16xf32>,
      } {sc.loop_unroll_factor = 8 : i64, sc.parallel_access}
      %dma_start3A_606 = arith.constant 0 : i32
      %dma_start3A_607 = arith.constant 0 : i32
      %dma_start3A_608 = arith.constant 0 : i32
      %dma_start3A_609 = tpu.memref_slice %arg7[%select_n3A_588, %dma_start3A_607, %dma_start3A_608] : memref<2x64x129xf32, #tpu.memory_space<vmem>> -> memref<1x8x128xf32, #tpu.memory_space<vmem>>
      %dma_start3A_610 = tpu.memref_squeeze %dma_start3A_609 : memref<1x8x128xf32, #tpu.memory_space<vmem>> -> memref<8x128xf32, #tpu.memory_space<vmem>>
      %dma_start3A_611 = arith.constant 0 : i32
      %dma_start3A_612 = arith.constant 0 : i32
      %dma_start3A_613 = tpu.memref_slice %arg4[%scan3A_563, %dma_start3A_606, %add3A, %dma_start3A_611, %dma_start3A_612] : memref<26x8x32x8x128xf32, #tpu.memory_space<hbm>> -> memref<1x1x1x8x128xf32, #tpu.memory_space<hbm>>
      %dma_start3A_614 = tpu.memref_squeeze %dma_start3A_613 : memref<1x1x1x8x128xf32, #tpu.memory_space<hbm>> -> memref<8x128xf32, #tpu.memory_space<hbm>>
      %dma_start3A_615 = tpu.memref_slice %arg9[%select_n3A_588] : memref<2x!tpu.dma_semaphore, #tpu.memory_space<semaphore_mem>> -> memref<1x!tpu.dma_semaphore, #tpu.memory_space<semaphore_mem>>
      %dma_start3A_616 = tpu.memref_squeeze %dma_start3A_615 : memref<1x!tpu.dma_semaphore, #tpu.memory_space<semaphore_mem>> -> memref<!tpu.dma_semaphore, #tpu.memory_space<semaphore_mem>>
      %dma_start3A_617 = arith.constant 0 : i32
      %dma_start3A_618 = arith.constant 0 : i32
      %dma_start3A_619 = tpu.memref_slice %arg4[%scan3A_563, %dma_start3A_606, %add3A, %dma_start3A_617, %dma_start3A_618] : memref<26x8x32x8x128xf32, #tpu.memory_space<hbm>> -> memref<1x1x1x8x128xf32, #tpu.memory_space<hbm>>
      %dma_start3A_620 = tpu.memref_squeeze %dma_start3A_619 : memref<1x1x1x8x128xf32, #tpu.memory_space<hbm>> -> memref<8x128xf32, #tpu.memory_space<hbm>>
      %dma_start3A_621 = arith.constant 0 : i32
      %dma_start3A_622 = arith.constant 0 : i32
      %dma_start3A_623 = tpu.memref_slice %arg7[%select_n3A_588, %dma_start3A_621, %dma_start3A_622] : memref<2x64x129xf32, #tpu.memory_space<vmem>> -> memref<1x8x128xf32, #tpu.memory_space<vmem>>
      %dma_start3A_624 = tpu.memref_squeeze %dma_start3A_623 : memref<1x8x128xf32, #tpu.memory_space<vmem>> -> memref<8x128xf32, #tpu.memory_space<vmem>>
      tpu.enqueue_dma source(%dma_start3A_624 : memref<8x128xf32, #tpu.memory_space<vmem>>) target(%dma_start3A_620 : memref<8x128xf32, #tpu.memory_space<hbm>>) target_semaphore(%dma_start3A_616 : memref<!tpu.dma_semaphore, #tpu.memory_space<semaphore_mem>>)
      %dma_start3A_625 = arith.constant 1 : i32
      %dma_start3A_626 = arith.constant 8 : i32
      %dma_start3A_627 = arith.constant 0 : i32
      %dma_start3A_628 = tpu.memref_slice %arg7[%select_n3A_588, %dma_start3A_626, %dma_start3A_627] : memref<2x64x129xf32, #tpu.memory_space<vmem>> -> memref<1x8x128xf32, #tpu.memory_space<vmem>>
      %dma_start3A_629 = tpu.memref_squeeze %dma_start3A_628 : memref<1x8x128xf32, #tpu.memory_space<vmem>> -> memref<8x128xf32, #tpu.memory_space<vmem>>
      %dma_start3A_630 = arith.constant 0 : i32
      %dma_start3A_631 = arith.constant 0 : i32
      %dma_start3A_632 = tpu.memref_slice %arg4[%scan3A_563, %dma_start3A_625, %add3A, %dma_start3A_630, %dma_start3A_631] : memref<26x8x32x8x128xf32, #tpu.memory_space<hbm>> -> memref<1x1x1x8x128xf32, #tpu.memory_space<hbm>>
      %dma_start3A_633 = tpu.memref_squeeze %dma_start3A_632 : memref<1x1x1x8x128xf32, #tpu.memory_space<hbm>> -> memref<8x128xf32, #tpu.memory_space<hbm>>
      %dma_start3A_634 = tpu.memref_slice %arg9[%select_n3A_588] : memref<2x!tpu.dma_semaphore, #tpu.memory_space<semaphore_mem>> -> memref<1x!tpu.dma_semaphore, #tpu.memory_space<semaphore_mem>>
      %dma_start3A_635 = tpu.memref_squeeze %dma_start3A_634 : memref<1x!tpu.dma_semaphore, #tpu.memory_space<semaphore_mem>> -> memref<!tpu.dma_semaphore, #tpu.memory_space<semaphore_mem>>
      %dma_start3A_636 = arith.constant 0 : i32
      %dma_start3A_637 = arith.constant 0 : i32
      %dma_start3A_638 = tpu.memref_slice %arg4[%scan3A_563, %dma_start3A_625, %add3A, %dma_start3A_636, %dma_start3A_637] : memref<26x8x32x8x128xf32, #tpu.memory_space<hbm>> -> memref<1x1x1x8x128xf32, #tpu.memory_space<hbm>>
      %dma_start3A_639 = tpu.memref_squeeze %dma_start3A_638 : memref<1x1x1x8x128xf32, #tpu.memory_space<hbm>> -> memref<8x128xf32, #tpu.memory_space<hbm>>
      %dma_start3A_640 = arith.constant 8 : i32
      %dma_start3A_641 = arith.constant 0 : i32
      %dma_start3A_642 = tpu.memref_slice %arg7[%select_n3A_588, %dma_start3A_640, %dma_start3A_641] : memref<2x64x129xf32, #tpu.memory_space<vmem>> -> memref<1x8x128xf32, #tpu.memory_space<vmem>>
      %dma_start3A_643 = tpu.memref_squeeze %dma_start3A_642 : memref<1x8x128xf32, #tpu.memory_space<vmem>> -> memref<8x128xf32, #tpu.memory_space<vmem>>
      tpu.enqueue_dma source(%dma_start3A_643 : memref<8x128xf32, #tpu.memory_space<vmem>>) target(%dma_start3A_639 : memref<8x128xf32, #tpu.memory_space<hbm>>) target_semaphore(%dma_start3A_635 : memref<!tpu.dma_semaphore, #tpu.memory_space<semaphore_mem>>)
      %dma_start3A_644 = arith.constant 2 : i32
      %dma_start3A_645 = arith.constant 16 : i32
      %dma_start3A_646 = arith.constant 0 : i32
      %dma_start3A_647 = tpu.memref_slice %arg7[%select_n3A_588, %dma_start3A_645, %dma_start3A_646] : memref<2x64x129xf32, #tpu.memory_space<vmem>> -> memref<1x8x128xf32, #tpu.memory_space<vmem>>
      %dma_start3A_648 = tpu.memref_squeeze %dma_start3A_647 : memref<1x8x128xf32, #tpu.memory_space<vmem>> -> memref<8x128xf32, #tpu.memory_space<vmem>>
      %dma_start3A_649 = arith.constant 0 : i32
      %dma_start3A_650 = arith.constant 0 : i32
      %dma_start3A_651 = tpu.memref_slice %arg4[%scan3A_563, %dma_start3A_644, %add3A, %dma_start3A_649, %dma_start3A_650] : memref<26x8x32x8x128xf32, #tpu.memory_space<hbm>> -> memref<1x1x1x8x128xf32, #tpu.memory_space<hbm>>
      %dma_start3A_652 = tpu.memref_squeeze %dma_start3A_651 : memref<1x1x1x8x128xf32, #tpu.memory_space<hbm>> -> memref<8x128xf32, #tpu.memory_space<hbm>>
      %dma_start3A_653 = tpu.memref_slice %arg9[%select_n3A_588] : memref<2x!tpu.dma_semaphore, #tpu.memory_space<semaphore_mem>> -> memref<1x!tpu.dma_semaphore, #tpu.memory_space<semaphore_mem>>
      %dma_start3A_654 = tpu.memref_squeeze %dma_start3A_653 : memref<1x!tpu.dma_semaphore, #tpu.memory_space<semaphore_mem>> -> memref<!tpu.dma_semaphore, #tpu.memory_space<semaphore_mem>>
      %dma_start3A_655 = arith.constant 0 : i32
      %dma_start3A_656 = arith.constant 0 : i32
      %dma_start3A_657 = tpu.memref_slice %arg4[%scan3A_563, %dma_start3A_644, %add3A, %dma_start3A_655, %dma_start3A_656] : memref<26x8x32x8x128xf32, #tpu.memory_space<hbm>> -> memref<1x1x1x8x128xf32, #tpu.memory_space<hbm>>
      %dma_start3A_658 = tpu.memref_squeeze %dma_start3A_657 : memref<1x1x1x8x128xf32, #tpu.memory_space<hbm>> -> memref<8x128xf32, #tpu.memory_space<hbm>>
      %dma_start3A_659 = arith.constant 16 : i32
      %dma_start3A_660 = arith.constant 0 : i32
      %dma_start3A_661 = tpu.memref_slice %arg7[%select_n3A_588, %dma_start3A_659, %dma_start3A_660] : memref<2x64x129xf32, #tpu.memory_space<vmem>> -> memref<1x8x128xf32, #tpu.memory_space<vmem>>
      %dma_start3A_662 = tpu.memref_squeeze %dma_start3A_661 : memref<1x8x128xf32, #tpu.memory_space<vmem>> -> memref<8x128xf32, #tpu.memory_space<vmem>>
      tpu.enqueue_dma source(%dma_start3A_662 : memref<8x128xf32, #tpu.memory_space<vmem>>) target(%dma_start3A_658 : memref<8x128xf32, #tpu.memory_space<hbm>>) target_semaphore(%dma_start3A_654 : memref<!tpu.dma_semaphore, #tpu.memory_space<semaphore_mem>>)
      %dma_start3A_663 = arith.constant 3 : i32
      %dma_start3A_664 = arith.constant 24 : i32
      %dma_start3A_665 = arith.constant 0 : i32
      %dma_start3A_666 = tpu.memref_slice %arg7[%select_n3A_588, %dma_start3A_664, %dma_start3A_665] : memref<2x64x129xf32, #tpu.memory_space<vmem>> -> memref<1x8x128xf32, #tpu.memory_space<vmem>>
      %dma_start3A_667 = tpu.memref_squeeze %dma_start3A_666 : memref<1x8x128xf32, #tpu.memory_space<vmem>> -> memref<8x128xf32, #tpu.memory_space<vmem>>
      %dma_start3A_668 = arith.constant 0 : i32
      %dma_start3A_669 = arith.constant 0 : i32
      %dma_start3A_670 = tpu.memref_slice %arg4[%scan3A_563, %dma_start3A_663, %add3A, %dma_start3A_668, %dma_start3A_669] : memref<26x8x32x8x128xf32, #tpu.memory_space<hbm>> -> memref<1x1x1x8x128xf32, #tpu.memory_space<hbm>>
      %dma_start3A_671 = tpu.memref_squeeze %dma_start3A_670 : memref<1x1x1x8x128xf32, #tpu.memory_space<hbm>> -> memref<8x128xf32, #tpu.memory_space<hbm>>
      %dma_start3A_672 = tpu.memref_slice %arg9[%select_n3A_588] : memref<2x!tpu.dma_semaphore, #tpu.memory_space<semaphore_mem>> -> memref<1x!tpu.dma_semaphore, #tpu.memory_space<semaphore_mem>>
      %dma_start3A_673 = tpu.memref_squeeze %dma_start3A_672 : memref<1x!tpu.dma_semaphore, #tpu.memory_space<semaphore_mem>> -> memref<!tpu.dma_semaphore, #tpu.memory_space<semaphore_mem>>
      %dma_start3A_674 = arith.constant 0 : i32
      %dma_start3A_675 = arith.constant 0 : i32
      %dma_start3A_676 = tpu.memref_slice %arg4[%scan3A_563, %dma_start3A_663, %add3A, %dma_start3A_674, %dma_start3A_675] : memref<26x8x32x8x128xf32, #tpu.memory_space<hbm>> -> memref<1x1x1x8x128xf32, #tpu.memory_space<hbm>>
      %dma_start3A_677 = tpu.memref_squeeze %dma_start3A_676 : memref<1x1x1x8x128xf32, #tpu.memory_space<hbm>> -> memref<8x128xf32, #tpu.memory_space<hbm>>
      %dma_start3A_678 = arith.constant 24 : i32
      %dma_start3A_679 = arith.constant 0 : i32
      %dma_start3A_680 = tpu.memref_slice %arg7[%select_n3A_588, %dma_start3A_678, %dma_start3A_679] : memref<2x64x129xf32, #tpu.memory_space<vmem>> -> memref<1x8x128xf32, #tpu.memory_space<vmem>>
      %dma_start3A_681 = tpu.memref_squeeze %dma_start3A_680 : memref<1x8x128xf32, #tpu.memory_space<vmem>> -> memref<8x128xf32, #tpu.memory_space<vmem>>
      tpu.enqueue_dma source(%dma_start3A_681 : memref<8x128xf32, #tpu.memory_space<vmem>>) target(%dma_start3A_677 : memref<8x128xf32, #tpu.memory_space<hbm>>) target_semaphore(%dma_start3A_673 : memref<!tpu.dma_semaphore, #tpu.memory_space<semaphore_mem>>)
      %dma_start3A_682 = arith.constant 4 : i32
      %dma_start3A_683 = arith.constant 32 : i32
      %dma_start3A_684 = arith.constant 0 : i32
      %dma_start3A_685 = tpu.memref_slice %arg7[%select_n3A_588, %dma_start3A_683, %dma_start3A_684] : memref<2x64x129xf32, #tpu.memory_space<vmem>> -> memref<1x8x128xf32, #tpu.memory_space<vmem>>
      %dma_start3A_686 = tpu.memref_squeeze %dma_start3A_685 : memref<1x8x128xf32, #tpu.memory_space<vmem>> -> memref<8x128xf32, #tpu.memory_space<vmem>>
      %dma_start3A_687 = arith.constant 0 : i32
      %dma_start3A_688 = arith.constant 0 : i32
      %dma_start3A_689 = tpu.memref_slice %arg4[%scan3A_563, %dma_start3A_682, %add3A, %dma_start3A_687, %dma_start3A_688] : memref<26x8x32x8x128xf32, #tpu.memory_space<hbm>> -> memref<1x1x1x8x128xf32, #tpu.memory_space<hbm>>
      %dma_start3A_690 = tpu.memref_squeeze %dma_start3A_689 : memref<1x1x1x8x128xf32, #tpu.memory_space<hbm>> -> memref<8x128xf32, #tpu.memory_space<hbm>>
      %dma_start3A_691 = tpu.memref_slice %arg9[%select_n3A_588] : memref<2x!tpu.dma_semaphore, #tpu.memory_space<semaphore_mem>> -> memref<1x!tpu.dma_semaphore, #tpu.memory_space<semaphore_mem>>
      %dma_start3A_692 = tpu.memref_squeeze %dma_start3A_691 : memref<1x!tpu.dma_semaphore, #tpu.memory_space<semaphore_mem>> -> memref<!tpu.dma_semaphore, #tpu.memory_space<semaphore_mem>>
      %dma_start3A_693 = arith.constant 0 : i32
      %dma_start3A_694 = arith.constant 0 : i32
      %dma_start3A_695 = tpu.memref_slice %arg4[%scan3A_563, %dma_start3A_682, %add3A, %dma_start3A_693, %dma_start3A_694] : memref<26x8x32x8x128xf32, #tpu.memory_space<hbm>> -> memref<1x1x1x8x128xf32, #tpu.memory_space<hbm>>
      %dma_start3A_696 = tpu.memref_squeeze %dma_start3A_695 : memref<1x1x1x8x128xf32, #tpu.memory_space<hbm>> -> memref<8x128xf32, #tpu.memory_space<hbm>>
      %dma_start3A_697 = arith.constant 32 : i32
      %dma_start3A_698 = arith.constant 0 : i32
      %dma_start3A_699 = tpu.memref_slice %arg7[%select_n3A_588, %dma_start3A_697, %dma_start3A_698] : memref<2x64x129xf32, #tpu.memory_space<vmem>> -> memref<1x8x128xf32, #tpu.memory_space<vmem>>
      %dma_start3A_700 = tpu.memref_squeeze %dma_start3A_699 : memref<1x8x128xf32, #tpu.memory_space<vmem>> -> memref<8x128xf32, #tpu.memory_space<vmem>>
      tpu.enqueue_dma source(%dma_start3A_700 : memref<8x128xf32, #tpu.memory_space<vmem>>) target(%dma_start3A_696 : memref<8x128xf32, #tpu.memory_space<hbm>>) target_semaphore(%dma_start3A_692 : memref<!tpu.dma_semaphore, #tpu.memory_space<semaphore_mem>>)
      %dma_start3A_701 = arith.constant 5 : i32
      %dma_start3A_702 = arith.constant 40 : i32
      %dma_start3A_703 = arith.constant 0 : i32
      %dma_start3A_704 = tpu.memref_slice %arg7[%select_n3A_588, %dma_start3A_702, %dma_start3A_703] : memref<2x64x129xf32, #tpu.memory_space<vmem>> -> memref<1x8x128xf32, #tpu.memory_space<vmem>>
      %dma_start3A_705 = tpu.memref_squeeze %dma_start3A_704 : memref<1x8x128xf32, #tpu.memory_space<vmem>> -> memref<8x128xf32, #tpu.memory_space<vmem>>
      %dma_start3A_706 = arith.constant 0 : i32
      %dma_start3A_707 = arith.constant 0 : i32
      %dma_start3A_708 = tpu.memref_slice %arg4[%scan3A_563, %dma_start3A_701, %add3A, %dma_start3A_706, %dma_start3A_707] : memref<26x8x32x8x128xf32, #tpu.memory_space<hbm>> -> memref<1x1x1x8x128xf32, #tpu.memory_space<hbm>>
      %dma_start3A_709 = tpu.memref_squeeze %dma_start3A_708 : memref<1x1x1x8x128xf32, #tpu.memory_space<hbm>> -> memref<8x128xf32, #tpu.memory_space<hbm>>
      %dma_start3A_710 = tpu.memref_slice %arg9[%select_n3A_588] : memref<2x!tpu.dma_semaphore, #tpu.memory_space<semaphore_mem>> -> memref<1x!tpu.dma_semaphore, #tpu.memory_space<semaphore_mem>>
      %dma_start3A_711 = tpu.memref_squeeze %dma_start3A_710 : memref<1x!tpu.dma_semaphore, #tpu.memory_space<semaphore_mem>> -> memref<!tpu.dma_semaphore, #tpu.memory_space<semaphore_mem>>
      %dma_start3A_712 = arith.constant 0 : i32
      %dma_start3A_713 = arith.constant 0 : i32
      %dma_start3A_714 = tpu.memref_slice %arg4[%scan3A_563, %dma_start3A_701, %add3A, %dma_start3A_712, %dma_start3A_713] : memref<26x8x32x8x128xf32, #tpu.memory_space<hbm>> -> memref<1x1x1x8x128xf32, #tpu.memory_space<hbm>>
      %dma_start3A_715 = tpu.memref_squeeze %dma_start3A_714 : memref<1x1x1x8x128xf32, #tpu.memory_space<hbm>> -> memref<8x128xf32, #tpu.memory_space<hbm>>
      %dma_start3A_716 = arith.constant 40 : i32
      %dma_start3A_717 = arith.constant 0 : i32
      %dma_start3A_718 = tpu.memref_slice %arg7[%select_n3A_588, %dma_start3A_716, %dma_start3A_717] : memref<2x64x129xf32, #tpu.memory_space<vmem>> -> memref<1x8x128xf32, #tpu.memory_space<vmem>>
      %dma_start3A_719 = tpu.memref_squeeze %dma_start3A_718 : memref<1x8x128xf32, #tpu.memory_space<vmem>> -> memref<8x128xf32, #tpu.memory_space<vmem>>
      tpu.enqueue_dma source(%dma_start3A_719 : memref<8x128xf32, #tpu.memory_space<vmem>>) target(%dma_start3A_715 : memref<8x128xf32, #tpu.memory_space<hbm>>) target_semaphore(%dma_start3A_711 : memref<!tpu.dma_semaphore, #tpu.memory_space<semaphore_mem>>)
      %dma_start3A_720 = arith.constant 6 : i32
      %dma_start3A_721 = arith.constant 48 : i32
      %dma_start3A_722 = arith.constant 0 : i32
      %dma_start3A_723 = tpu.memref_slice %arg7[%select_n3A_588, %dma_start3A_721, %dma_start3A_722] : memref<2x64x129xf32, #tpu.memory_space<vmem>> -> memref<1x8x128xf32, #tpu.memory_space<vmem>>
      %dma_start3A_724 = tpu.memref_squeeze %dma_start3A_723 : memref<1x8x128xf32, #tpu.memory_space<vmem>> -> memref<8x128xf32, #tpu.memory_space<vmem>>
      %dma_start3A_725 = arith.constant 0 : i32
      %dma_start3A_726 = arith.constant 0 : i32
      %dma_start3A_727 = tpu.memref_slice %arg4[%scan3A_563, %dma_start3A_720, %add3A, %dma_start3A_725, %dma_start3A_726] : memref<26x8x32x8x128xf32, #tpu.memory_space<hbm>> -> memref<1x1x1x8x128xf32, #tpu.memory_space<hbm>>
      %dma_start3A_728 = tpu.memref_squeeze %dma_start3A_727 : memref<1x1x1x8x128xf32, #tpu.memory_space<hbm>> -> memref<8x128xf32, #tpu.memory_space<hbm>>
      %dma_start3A_729 = tpu.memref_slice %arg9[%select_n3A_588] : memref<2x!tpu.dma_semaphore, #tpu.memory_space<semaphore_mem>> -> memref<1x!tpu.dma_semaphore, #tpu.memory_space<semaphore_mem>>
      %dma_start3A_730 = tpu.memref_squeeze %dma_start3A_729 : memref<1x!tpu.dma_semaphore, #tpu.memory_space<semaphore_mem>> -> memref<!tpu.dma_semaphore, #tpu.memory_space<semaphore_mem>>
      %dma_start3A_731 = arith.constant 0 : i32
      %dma_start3A_732 = arith.constant 0 : i32
      %dma_start3A_733 = tpu.memref_slice %arg4[%scan3A_563, %dma_start3A_720, %add3A, %dma_start3A_731, %dma_start3A_732] : memref<26x8x32x8x128xf32, #tpu.memory_space<hbm>> -> memref<1x1x1x8x128xf32, #tpu.memory_space<hbm>>
      %dma_start3A_734 = tpu.memref_squeeze %dma_start3A_733 : memref<1x1x1x8x128xf32, #tpu.memory_space<hbm>> -> memref<8x128xf32, #tpu.memory_space<hbm>>
      %dma_start3A_735 = arith.constant 48 : i32
      %dma_start3A_736 = arith.constant 0 : i32
      %dma_start3A_737 = tpu.memref_slice %arg7[%select_n3A_588, %dma_start3A_735, %dma_start3A_736] : memref<2x64x129xf32, #tpu.memory_space<vmem>> -> memref<1x8x128xf32, #tpu.memory_space<vmem>>
      %dma_start3A_738 = tpu.memref_squeeze %dma_start3A_737 : memref<1x8x128xf32, #tpu.memory_space<vmem>> -> memref<8x128xf32, #tpu.memory_space<vmem>>
      tpu.enqueue_dma source(%dma_start3A_738 : memref<8x128xf32, #tpu.memory_space<vmem>>) target(%dma_start3A_734 : memref<8x128xf32, #tpu.memory_space<hbm>>) target_semaphore(%dma_start3A_730 : memref<!tpu.dma_semaphore, #tpu.memory_space<semaphore_mem>>)
      %dma_start3A_739 = arith.constant 7 : i32
      %dma_start3A_740 = arith.constant 56 : i32
      %dma_start3A_741 = arith.constant 0 : i32
      %dma_start3A_742 = tpu.memref_slice %arg7[%select_n3A_588, %dma_start3A_740, %dma_start3A_741] : memref<2x64x129xf32, #tpu.memory_space<vmem>> -> memref<1x8x128xf32, #tpu.memory_space<vmem>>
      %dma_start3A_743 = tpu.memref_squeeze %dma_start3A_742 : memref<1x8x128xf32, #tpu.memory_space<vmem>> -> memref<8x128xf32, #tpu.memory_space<vmem>>
      %dma_start3A_744 = arith.constant 0 : i32
      %dma_start3A_745 = arith.constant 0 : i32
      %dma_start3A_746 = tpu.memref_slice %arg4[%scan3A_563, %dma_start3A_739, %add3A, %dma_start3A_744, %dma_start3A_745] : memref<26x8x32x8x128xf32, #tpu.memory_space<hbm>> -> memref<1x1x1x8x128xf32, #tpu.memory_space<hbm>>
      %dma_start3A_747 = tpu.memref_squeeze %dma_start3A_746 : memref<1x1x1x8x128xf32, #tpu.memory_space<hbm>> -> memref<8x128xf32, #tpu.memory_space<hbm>>
      %dma_start3A_748 = tpu.memref_slice %arg9[%select_n3A_588] : memref<2x!tpu.dma_semaphore, #tpu.memory_space<semaphore_mem>> -> memref<1x!tpu.dma_semaphore, #tpu.memory_space<semaphore_mem>>
      %dma_start3A_749 = tpu.memref_squeeze %dma_start3A_748 : memref<1x!tpu.dma_semaphore, #tpu.memory_space<semaphore_mem>> -> memref<!tpu.dma_semaphore, #tpu.memory_space<semaphore_mem>>
      %dma_start3A_750 = arith.constant 0 : i32
      %dma_start3A_751 = arith.constant 0 : i32
      %dma_start3A_752 = tpu.memref_slice %arg4[%scan3A_563, %dma_start3A_739, %add3A, %dma_start3A_750, %dma_start3A_751] : memref<26x8x32x8x128xf32, #tpu.memory_space<hbm>> -> memref<1x1x1x8x128xf32, #tpu.memory_space<hbm>>
      %dma_start3A_753 = tpu.memref_squeeze %dma_start3A_752 : memref<1x1x1x8x128xf32, #tpu.memory_space<hbm>> -> memref<8x128xf32, #tpu.memory_space<hbm>>
      %dma_start3A_754 = arith.constant 56 : i32
      %dma_start3A_755 = arith.constant 0 : i32
      %dma_start3A_756 = tpu.memref_slice %arg7[%select_n3A_588, %dma_start3A_754, %dma_start3A_755] : memref<2x64x129xf32, #tpu.memory_space<vmem>> -> memref<1x8x128xf32, #tpu.memory_space<vmem>>
      %dma_start3A_757 = tpu.memref_squeeze %dma_start3A_756 : memref<1x8x128xf32, #tpu.memory_space<vmem>> -> memref<8x128xf32, #tpu.memory_space<vmem>>
      tpu.enqueue_dma source(%dma_start3A_757 : memref<8x128xf32, #tpu.memory_space<vmem>>) target(%dma_start3A_753 : memref<8x128xf32, #tpu.memory_space<hbm>>) target_semaphore(%dma_start3A_749 : memref<!tpu.dma_semaphore, #tpu.memory_space<semaphore_mem>>)
      %add3A_758 = arith.constant 13 : i32
      %add3A_759 = arith.addi %scan3A_563, %add3A_758 : i32
      %lt3A_760 = arith.constant 26 : i32
      %lt3A_761 = arith.cmpi slt, %add3A_759, %lt3A_760 : i32
      %convert_element_type3A_762 = arith.extui %lt3A_761 : i1 to i32
      %cond3A_763 = arith.constant 0 : i32
      %cond3A_764 = arith.cmpi ne, %convert_element_type3A_762, %cond3A_763 : i32
      scf.if %cond3A_764 {
        %add3A_765 = arith.constant 13 : i32
        %add3A_766 = arith.addi %scan3A_563, %add3A_765 : i32
        %dma_start3A_767 = arith.constant 0 : i32
        %dma_start3A_768 = arith.constant 0 : i32
        %dma_start3A_769 = tpu.memref_slice %arg6[%select_n3A_572, %dma_start3A_767, %dma_start3A_768] : memref<13x128x64xf32, #tpu.memory_space<vmem>> -> memref<1x128x64xf32, #tpu.memory_space<vmem>>
        %dma_start3A_770 = tpu.memref_squeeze %dma_start3A_769 : memref<1x128x64xf32, #tpu.memory_space<vmem>> -> memref<128x64xf32, #tpu.memory_space<vmem>>
        %dma_start3A_771 = arith.constant 0 : i32
        %dma_start3A_772 = tpu.memref_slice %arg5[%add3A_766, %dma_start3A_771] : memref<26x128xi32, #tpu.memory_space<vmem>> -> memref<1x128xi32, #tpu.memory_space<vmem>>
        %dma_start3A_773 = tpu.memref_squeeze %dma_start3A_772 : memref<1x128xi32, #tpu.memory_space<vmem>> -> memref<128xi32, #tpu.memory_space<vmem>>
        %dma_start3A_774 = arith.constant 0 : i32
        %dma_start3A_775 = arith.constant 0 : i32
        %dma_start3A_776 = tpu.memref_slice %arg3[%dma_start3A_774, %dma_start3A_775] : memref<100000x64xf32, #tpu.memory_space<hbm>> -> memref<100000x64xf32, #tpu.memory_space<hbm>>
        %dma_start3A_777 = tpu.memref_slice %arg8[%select_n3A_572] : memref<13x!tpu.dma_semaphore, #tpu.memory_space<semaphore_mem>> -> memref<1x!tpu.dma_semaphore, #tpu.memory_space<semaphore_mem>>
        %dma_start3A_778 = tpu.memref_squeeze %dma_start3A_777 : memref<1x!tpu.dma_semaphore, #tpu.memory_space<semaphore_mem>> -> memref<!tpu.dma_semaphore, #tpu.memory_space<semaphore_mem>>
        tpu.enqueue_indirect_dma source(%dma_start3A_776 : memref<100000x64xf32, #tpu.memory_space<hbm>>) target(%dma_start3A_770 : memref<128x64xf32, #tpu.memory_space<vmem>>) offsets(%dma_start3A_773 : memref<128xi32, #tpu.memory_space<vmem>>) semaphore(%dma_start3A_778 : memref<!tpu.dma_semaphore, #tpu.memory_space<semaphore_mem>>)
      } else {
      }
    }
    %scan3A_211 = arith.constant 26 : i32
    %dma_wait3A = arith.constant 0 : i32
    %dma_wait3A_212 = arith.constant 0 : i32
    %dma_wait3A_213 = arith.constant 0 : i32
    %dma_wait3A_214 = arith.constant 0 : i32
    %dma_wait3A_215 = arith.constant 0 : i32
    %dma_wait3A_216 = arith.constant 0 : i32
    %dma_wait3A_217 = tpu.memref_slice %arg7[%dma_wait3A, %dma_wait3A_215, %dma_wait3A_216] : memref<2x64x129xf32, #tpu.memory_space<vmem>> -> memref<1x8x128xf32, #tpu.memory_space<vmem>>
    %dma_wait3A_218 = tpu.memref_squeeze %dma_wait3A_217 : memref<1x8x128xf32, #tpu.memory_space<vmem>> -> memref<8x128xf32, #tpu.memory_space<vmem>>
    %dma_wait3A_219 = arith.constant 0 : i32
    %dma_wait3A_220 = arith.constant 0 : i32
    %dma_wait3A_221 = tpu.memref_slice %arg4[%dma_wait3A_212, %dma_wait3A_213, %add3A, %dma_wait3A_219, %dma_wait3A_220] : memref<26x8x32x8x128xf32, #tpu.memory_space<hbm>> -> memref<1x1x1x8x128xf32, #tpu.memory_space<hbm>>
    %dma_wait3A_222 = tpu.memref_squeeze %dma_wait3A_221 : memref<1x1x1x8x128xf32, #tpu.memory_space<hbm>> -> memref<8x128xf32, #tpu.memory_space<hbm>>
    %dma_wait3A_223 = tpu.memref_slice %arg9[%dma_wait3A_214] : memref<2x!tpu.dma_semaphore, #tpu.memory_space<semaphore_mem>> -> memref<1x!tpu.dma_semaphore, #tpu.memory_space<semaphore_mem>>
    %dma_wait3A_224 = tpu.memref_squeeze %dma_wait3A_223 : memref<1x!tpu.dma_semaphore, #tpu.memory_space<semaphore_mem>> -> memref<!tpu.dma_semaphore, #tpu.memory_space<semaphore_mem>>
    %dma_wait3A_225 = arith.constant 0 : i32
    %dma_wait3A_226 = arith.constant 0 : i32
    %dma_wait3A_227 = tpu.memref_slice %arg4[%dma_wait3A_212, %dma_wait3A_213, %add3A, %dma_wait3A_225, %dma_wait3A_226] : memref<26x8x32x8x128xf32, #tpu.memory_space<hbm>> -> memref<1x1x1x8x128xf32, #tpu.memory_space<hbm>>
    %dma_wait3A_228 = tpu.memref_squeeze %dma_wait3A_227 : memref<1x1x1x8x128xf32, #tpu.memory_space<hbm>> -> memref<8x128xf32, #tpu.memory_space<hbm>>
    %dma_wait3A_229 = arith.constant 0 : i32
    %dma_wait3A_230 = arith.constant 0 : i32
    %dma_wait3A_231 = tpu.memref_slice %arg7[%dma_wait3A, %dma_wait3A_229, %dma_wait3A_230] : memref<2x64x129xf32, #tpu.memory_space<vmem>> -> memref<1x8x128xf32, #tpu.memory_space<vmem>>
    %dma_wait3A_232 = tpu.memref_squeeze %dma_wait3A_231 : memref<1x8x128xf32, #tpu.memory_space<vmem>> -> memref<8x128xf32, #tpu.memory_space<vmem>>
    tpu.wait_dma2 semaphore(%dma_wait3A_224 : memref<!tpu.dma_semaphore, #tpu.memory_space<semaphore_mem>>) src(%dma_wait3A_232 : memref<8x128xf32, #tpu.memory_space<vmem>>) dst(%dma_wait3A_228 : memref<8x128xf32, #tpu.memory_space<hbm>>)
    %dma_wait3A_233 = arith.constant 0 : i32
    %dma_wait3A_234 = arith.constant 0 : i32
    %dma_wait3A_235 = arith.constant 1 : i32
    %dma_wait3A_236 = arith.constant 0 : i32
    %dma_wait3A_237 = arith.constant 8 : i32
    %dma_wait3A_238 = arith.constant 0 : i32
    %dma_wait3A_239 = tpu.memref_slice %arg7[%dma_wait3A_233, %dma_wait3A_237, %dma_wait3A_238] : memref<2x64x129xf32, #tpu.memory_space<vmem>> -> memref<1x8x128xf32, #tpu.memory_space<vmem>>
    %dma_wait3A_240 = tpu.memref_squeeze %dma_wait3A_239 : memref<1x8x128xf32, #tpu.memory_space<vmem>> -> memref<8x128xf32, #tpu.memory_space<vmem>>
    %dma_wait3A_241 = arith.constant 0 : i32
    %dma_wait3A_242 = arith.constant 0 : i32
    %dma_wait3A_243 = tpu.memref_slice %arg4[%dma_wait3A_234, %dma_wait3A_235, %add3A, %dma_wait3A_241, %dma_wait3A_242] : memref<26x8x32x8x128xf32, #tpu.memory_space<hbm>> -> memref<1x1x1x8x128xf32, #tpu.memory_space<hbm>>
    %dma_wait3A_244 = tpu.memref_squeeze %dma_wait3A_243 : memref<1x1x1x8x128xf32, #tpu.memory_space<hbm>> -> memref<8x128xf32, #tpu.memory_space<hbm>>
    %dma_wait3A_245 = tpu.memref_slice %arg9[%dma_wait3A_236] : memref<2x!tpu.dma_semaphore, #tpu.memory_space<semaphore_mem>> -> memref<1x!tpu.dma_semaphore, #tpu.memory_space<semaphore_mem>>
    %dma_wait3A_246 = tpu.memref_squeeze %dma_wait3A_245 : memref<1x!tpu.dma_semaphore, #tpu.memory_space<semaphore_mem>> -> memref<!tpu.dma_semaphore, #tpu.memory_space<semaphore_mem>>
    %dma_wait3A_247 = arith.constant 0 : i32
    %dma_wait3A_248 = arith.constant 0 : i32
    %dma_wait3A_249 = tpu.memref_slice %arg4[%dma_wait3A_234, %dma_wait3A_235, %add3A, %dma_wait3A_247, %dma_wait3A_248] : memref<26x8x32x8x128xf32, #tpu.memory_space<hbm>> -> memref<1x1x1x8x128xf32, #tpu.memory_space<hbm>>
    %dma_wait3A_250 = tpu.memref_squeeze %dma_wait3A_249 : memref<1x1x1x8x128xf32, #tpu.memory_space<hbm>> -> memref<8x128xf32, #tpu.memory_space<hbm>>
    %dma_wait3A_251 = arith.constant 8 : i32
    %dma_wait3A_252 = arith.constant 0 : i32
    %dma_wait3A_253 = tpu.memref_slice %arg7[%dma_wait3A_233, %dma_wait3A_251, %dma_wait3A_252] : memref<2x64x129xf32, #tpu.memory_space<vmem>> -> memref<1x8x128xf32, #tpu.memory_space<vmem>>
    %dma_wait3A_254 = tpu.memref_squeeze %dma_wait3A_253 : memref<1x8x128xf32, #tpu.memory_space<vmem>> -> memref<8x128xf32, #tpu.memory_space<vmem>>
    tpu.wait_dma2 semaphore(%dma_wait3A_246 : memref<!tpu.dma_semaphore, #tpu.memory_space<semaphore_mem>>) src(%dma_wait3A_254 : memref<8x128xf32, #tpu.memory_space<vmem>>) dst(%dma_wait3A_250 : memref<8x128xf32, #tpu.memory_space<hbm>>)
    %dma_wait3A_255 = arith.constant 0 : i32
    %dma_wait3A_256 = arith.constant 0 : i32
    %dma_wait3A_257 = arith.constant 2 : i32
    %dma_wait3A_258 = arith.constant 0 : i32
    %dma_wait3A_259 = arith.constant 16 : i32
    %dma_wait3A_260 = arith.constant 0 : i32
    %dma_wait3A_261 = tpu.memref_slice %arg7[%dma_wait3A_255, %dma_wait3A_259, %dma_wait3A_260] : memref<2x64x129xf32, #tpu.memory_space<vmem>> -> memref<1x8x128xf32, #tpu.memory_space<vmem>>
    %dma_wait3A_262 = tpu.memref_squeeze %dma_wait3A_261 : memref<1x8x128xf32, #tpu.memory_space<vmem>> -> memref<8x128xf32, #tpu.memory_space<vmem>>
    %dma_wait3A_263 = arith.constant 0 : i32
    %dma_wait3A_264 = arith.constant 0 : i32
    %dma_wait3A_265 = tpu.memref_slice %arg4[%dma_wait3A_256, %dma_wait3A_257, %add3A, %dma_wait3A_263, %dma_wait3A_264] : memref<26x8x32x8x128xf32, #tpu.memory_space<hbm>> -> memref<1x1x1x8x128xf32, #tpu.memory_space<hbm>>
    %dma_wait3A_266 = tpu.memref_squeeze %dma_wait3A_265 : memref<1x1x1x8x128xf32, #tpu.memory_space<hbm>> -> memref<8x128xf32, #tpu.memory_space<hbm>>
    %dma_wait3A_267 = tpu.memref_slice %arg9[%dma_wait3A_258] : memref<2x!tpu.dma_semaphore, #tpu.memory_space<semaphore_mem>> -> memref<1x!tpu.dma_semaphore, #tpu.memory_space<semaphore_mem>>
    %dma_wait3A_268 = tpu.memref_squeeze %dma_wait3A_267 : memref<1x!tpu.dma_semaphore, #tpu.memory_space<semaphore_mem>> -> memref<!tpu.dma_semaphore, #tpu.memory_space<semaphore_mem>>
    %dma_wait3A_269 = arith.constant 0 : i32
    %dma_wait3A_270 = arith.constant 0 : i32
    %dma_wait3A_271 = tpu.memref_slice %arg4[%dma_wait3A_256, %dma_wait3A_257, %add3A, %dma_wait3A_269, %dma_wait3A_270] : memref<26x8x32x8x128xf32, #tpu.memory_space<hbm>> -> memref<1x1x1x8x128xf32, #tpu.memory_space<hbm>>
    %dma_wait3A_272 = tpu.memref_squeeze %dma_wait3A_271 : memref<1x1x1x8x128xf32, #tpu.memory_space<hbm>> -> memref<8x128xf32, #tpu.memory_space<hbm>>
    %dma_wait3A_273 = arith.constant 16 : i32
    %dma_wait3A_274 = arith.constant 0 : i32
    %dma_wait3A_275 = tpu.memref_slice %arg7[%dma_wait3A_255, %dma_wait3A_273, %dma_wait3A_274] : memref<2x64x129xf32, #tpu.memory_space<vmem>> -> memref<1x8x128xf32, #tpu.memory_space<vmem>>
    %dma_wait3A_276 = tpu.memref_squeeze %dma_wait3A_275 : memref<1x8x128xf32, #tpu.memory_space<vmem>> -> memref<8x128xf32, #tpu.memory_space<vmem>>
    tpu.wait_dma2 semaphore(%dma_wait3A_268 : memref<!tpu.dma_semaphore, #tpu.memory_space<semaphore_mem>>) src(%dma_wait3A_276 : memref<8x128xf32, #tpu.memory_space<vmem>>) dst(%dma_wait3A_272 : memref<8x128xf32, #tpu.memory_space<hbm>>)
    %dma_wait3A_277 = arith.constant 0 : i32
    %dma_wait3A_278 = arith.constant 0 : i32
    %dma_wait3A_279 = arith.constant 3 : i32
    %dma_wait3A_280 = arith.constant 0 : i32
    %dma_wait3A_281 = arith.constant 24 : i32
    %dma_wait3A_282 = arith.constant 0 : i32
    %dma_wait3A_283 = tpu.memref_slice %arg7[%dma_wait3A_277, %dma_wait3A_281, %dma_wait3A_282] : memref<2x64x129xf32, #tpu.memory_space<vmem>> -> memref<1x8x128xf32, #tpu.memory_space<vmem>>
    %dma_wait3A_284 = tpu.memref_squeeze %dma_wait3A_283 : memref<1x8x128xf32, #tpu.memory_space<vmem>> -> memref<8x128xf32, #tpu.memory_space<vmem>>
    %dma_wait3A_285 = arith.constant 0 : i32
    %dma_wait3A_286 = arith.constant 0 : i32
    %dma_wait3A_287 = tpu.memref_slice %arg4[%dma_wait3A_278, %dma_wait3A_279, %add3A, %dma_wait3A_285, %dma_wait3A_286] : memref<26x8x32x8x128xf32, #tpu.memory_space<hbm>> -> memref<1x1x1x8x128xf32, #tpu.memory_space<hbm>>
    %dma_wait3A_288 = tpu.memref_squeeze %dma_wait3A_287 : memref<1x1x1x8x128xf32, #tpu.memory_space<hbm>> -> memref<8x128xf32, #tpu.memory_space<hbm>>
    %dma_wait3A_289 = tpu.memref_slice %arg9[%dma_wait3A_280] : memref<2x!tpu.dma_semaphore, #tpu.memory_space<semaphore_mem>> -> memref<1x!tpu.dma_semaphore, #tpu.memory_space<semaphore_mem>>
    %dma_wait3A_290 = tpu.memref_squeeze %dma_wait3A_289 : memref<1x!tpu.dma_semaphore, #tpu.memory_space<semaphore_mem>> -> memref<!tpu.dma_semaphore, #tpu.memory_space<semaphore_mem>>
    %dma_wait3A_291 = arith.constant 0 : i32
    %dma_wait3A_292 = arith.constant 0 : i32
    %dma_wait3A_293 = tpu.memref_slice %arg4[%dma_wait3A_278, %dma_wait3A_279, %add3A, %dma_wait3A_291, %dma_wait3A_292] : memref<26x8x32x8x128xf32, #tpu.memory_space<hbm>> -> memref<1x1x1x8x128xf32, #tpu.memory_space<hbm>>
    %dma_wait3A_294 = tpu.memref_squeeze %dma_wait3A_293 : memref<1x1x1x8x128xf32, #tpu.memory_space<hbm>> -> memref<8x128xf32, #tpu.memory_space<hbm>>
    %dma_wait3A_295 = arith.constant 24 : i32
    %dma_wait3A_296 = arith.constant 0 : i32
    %dma_wait3A_297 = tpu.memref_slice %arg7[%dma_wait3A_277, %dma_wait3A_295, %dma_wait3A_296] : memref<2x64x129xf32, #tpu.memory_space<vmem>> -> memref<1x8x128xf32, #tpu.memory_space<vmem>>
    %dma_wait3A_298 = tpu.memref_squeeze %dma_wait3A_297 : memref<1x8x128xf32, #tpu.memory_space<vmem>> -> memref<8x128xf32, #tpu.memory_space<vmem>>
    tpu.wait_dma2 semaphore(%dma_wait3A_290 : memref<!tpu.dma_semaphore, #tpu.memory_space<semaphore_mem>>) src(%dma_wait3A_298 : memref<8x128xf32, #tpu.memory_space<vmem>>) dst(%dma_wait3A_294 : memref<8x128xf32, #tpu.memory_space<hbm>>)
    %dma_wait3A_299 = arith.constant 0 : i32
    %dma_wait3A_300 = arith.constant 0 : i32
    %dma_wait3A_301 = arith.constant 4 : i32
    %dma_wait3A_302 = arith.constant 0 : i32
    %dma_wait3A_303 = arith.constant 32 : i32
    %dma_wait3A_304 = arith.constant 0 : i32
    %dma_wait3A_305 = tpu.memref_slice %arg7[%dma_wait3A_299, %dma_wait3A_303, %dma_wait3A_304] : memref<2x64x129xf32, #tpu.memory_space<vmem>> -> memref<1x8x128xf32, #tpu.memory_space<vmem>>
    %dma_wait3A_306 = tpu.memref_squeeze %dma_wait3A_305 : memref<1x8x128xf32, #tpu.memory_space<vmem>> -> memref<8x128xf32, #tpu.memory_space<vmem>>
    %dma_wait3A_307 = arith.constant 0 : i32
    %dma_wait3A_308 = arith.constant 0 : i32
    %dma_wait3A_309 = tpu.memref_slice %arg4[%dma_wait3A_300, %dma_wait3A_301, %add3A, %dma_wait3A_307, %dma_wait3A_308] : memref<26x8x32x8x128xf32, #tpu.memory_space<hbm>> -> memref<1x1x1x8x128xf32, #tpu.memory_space<hbm>>
    %dma_wait3A_310 = tpu.memref_squeeze %dma_wait3A_309 : memref<1x1x1x8x128xf32, #tpu.memory_space<hbm>> -> memref<8x128xf32, #tpu.memory_space<hbm>>
    %dma_wait3A_311 = tpu.memref_slice %arg9[%dma_wait3A_302] : memref<2x!tpu.dma_semaphore, #tpu.memory_space<semaphore_mem>> -> memref<1x!tpu.dma_semaphore, #tpu.memory_space<semaphore_mem>>
    %dma_wait3A_312 = tpu.memref_squeeze %dma_wait3A_311 : memref<1x!tpu.dma_semaphore, #tpu.memory_space<semaphore_mem>> -> memref<!tpu.dma_semaphore, #tpu.memory_space<semaphore_mem>>
    %dma_wait3A_313 = arith.constant 0 : i32
    %dma_wait3A_314 = arith.constant 0 : i32
    %dma_wait3A_315 = tpu.memref_slice %arg4[%dma_wait3A_300, %dma_wait3A_301, %add3A, %dma_wait3A_313, %dma_wait3A_314] : memref<26x8x32x8x128xf32, #tpu.memory_space<hbm>> -> memref<1x1x1x8x128xf32, #tpu.memory_space<hbm>>
    %dma_wait3A_316 = tpu.memref_squeeze %dma_wait3A_315 : memref<1x1x1x8x128xf32, #tpu.memory_space<hbm>> -> memref<8x128xf32, #tpu.memory_space<hbm>>
    %dma_wait3A_317 = arith.constant 32 : i32
    %dma_wait3A_318 = arith.constant 0 : i32
    %dma_wait3A_319 = tpu.memref_slice %arg7[%dma_wait3A_299, %dma_wait3A_317, %dma_wait3A_318] : memref<2x64x129xf32, #tpu.memory_space<vmem>> -> memref<1x8x128xf32, #tpu.memory_space<vmem>>
    %dma_wait3A_320 = tpu.memref_squeeze %dma_wait3A_319 : memref<1x8x128xf32, #tpu.memory_space<vmem>> -> memref<8x128xf32, #tpu.memory_space<vmem>>
    tpu.wait_dma2 semaphore(%dma_wait3A_312 : memref<!tpu.dma_semaphore, #tpu.memory_space<semaphore_mem>>) src(%dma_wait3A_320 : memref<8x128xf32, #tpu.memory_space<vmem>>) dst(%dma_wait3A_316 : memref<8x128xf32, #tpu.memory_space<hbm>>)
    %dma_wait3A_321 = arith.constant 0 : i32
    %dma_wait3A_322 = arith.constant 0 : i32
    %dma_wait3A_323 = arith.constant 5 : i32
    %dma_wait3A_324 = arith.constant 0 : i32
    %dma_wait3A_325 = arith.constant 40 : i32
    %dma_wait3A_326 = arith.constant 0 : i32
    %dma_wait3A_327 = tpu.memref_slice %arg7[%dma_wait3A_321, %dma_wait3A_325, %dma_wait3A_326] : memref<2x64x129xf32, #tpu.memory_space<vmem>> -> memref<1x8x128xf32, #tpu.memory_space<vmem>>
    %dma_wait3A_328 = tpu.memref_squeeze %dma_wait3A_327 : memref<1x8x128xf32, #tpu.memory_space<vmem>> -> memref<8x128xf32, #tpu.memory_space<vmem>>
    %dma_wait3A_329 = arith.constant 0 : i32
    %dma_wait3A_330 = arith.constant 0 : i32
    %dma_wait3A_331 = tpu.memref_slice %arg4[%dma_wait3A_322, %dma_wait3A_323, %add3A, %dma_wait3A_329, %dma_wait3A_330] : memref<26x8x32x8x128xf32, #tpu.memory_space<hbm>> -> memref<1x1x1x8x128xf32, #tpu.memory_space<hbm>>
    %dma_wait3A_332 = tpu.memref_squeeze %dma_wait3A_331 : memref<1x1x1x8x128xf32, #tpu.memory_space<hbm>> -> memref<8x128xf32, #tpu.memory_space<hbm>>
    %dma_wait3A_333 = tpu.memref_slice %arg9[%dma_wait3A_324] : memref<2x!tpu.dma_semaphore, #tpu.memory_space<semaphore_mem>> -> memref<1x!tpu.dma_semaphore, #tpu.memory_space<semaphore_mem>>
    %dma_wait3A_334 = tpu.memref_squeeze %dma_wait3A_333 : memref<1x!tpu.dma_semaphore, #tpu.memory_space<semaphore_mem>> -> memref<!tpu.dma_semaphore, #tpu.memory_space<semaphore_mem>>
    %dma_wait3A_335 = arith.constant 0 : i32
    %dma_wait3A_336 = arith.constant 0 : i32
    %dma_wait3A_337 = tpu.memref_slice %arg4[%dma_wait3A_322, %dma_wait3A_323, %add3A, %dma_wait3A_335, %dma_wait3A_336] : memref<26x8x32x8x128xf32, #tpu.memory_space<hbm>> -> memref<1x1x1x8x128xf32, #tpu.memory_space<hbm>>
    %dma_wait3A_338 = tpu.memref_squeeze %dma_wait3A_337 : memref<1x1x1x8x128xf32, #tpu.memory_space<hbm>> -> memref<8x128xf32, #tpu.memory_space<hbm>>
    %dma_wait3A_339 = arith.constant 40 : i32
    %dma_wait3A_340 = arith.constant 0 : i32
    %dma_wait3A_341 = tpu.memref_slice %arg7[%dma_wait3A_321, %dma_wait3A_339, %dma_wait3A_340] : memref<2x64x129xf32, #tpu.memory_space<vmem>> -> memref<1x8x128xf32, #tpu.memory_space<vmem>>
    %dma_wait3A_342 = tpu.memref_squeeze %dma_wait3A_341 : memref<1x8x128xf32, #tpu.memory_space<vmem>> -> memref<8x128xf32, #tpu.memory_space<vmem>>
    tpu.wait_dma2 semaphore(%dma_wait3A_334 : memref<!tpu.dma_semaphore, #tpu.memory_space<semaphore_mem>>) src(%dma_wait3A_342 : memref<8x128xf32, #tpu.memory_space<vmem>>) dst(%dma_wait3A_338 : memref<8x128xf32, #tpu.memory_space<hbm>>)
    %dma_wait3A_343 = arith.constant 0 : i32
    %dma_wait3A_344 = arith.constant 0 : i32
    %dma_wait3A_345 = arith.constant 6 : i32
    %dma_wait3A_346 = arith.constant 0 : i32
    %dma_wait3A_347 = arith.constant 48 : i32
    %dma_wait3A_348 = arith.constant 0 : i32
    %dma_wait3A_349 = tpu.memref_slice %arg7[%dma_wait3A_343, %dma_wait3A_347, %dma_wait3A_348] : memref<2x64x129xf32, #tpu.memory_space<vmem>> -> memref<1x8x128xf32, #tpu.memory_space<vmem>>
    %dma_wait3A_350 = tpu.memref_squeeze %dma_wait3A_349 : memref<1x8x128xf32, #tpu.memory_space<vmem>> -> memref<8x128xf32, #tpu.memory_space<vmem>>
    %dma_wait3A_351 = arith.constant 0 : i32
    %dma_wait3A_352 = arith.constant 0 : i32
    %dma_wait3A_353 = tpu.memref_slice %arg4[%dma_wait3A_344, %dma_wait3A_345, %add3A, %dma_wait3A_351, %dma_wait3A_352] : memref<26x8x32x8x128xf32, #tpu.memory_space<hbm>> -> memref<1x1x1x8x128xf32, #tpu.memory_space<hbm>>
    %dma_wait3A_354 = tpu.memref_squeeze %dma_wait3A_353 : memref<1x1x1x8x128xf32, #tpu.memory_space<hbm>> -> memref<8x128xf32, #tpu.memory_space<hbm>>
    %dma_wait3A_355 = tpu.memref_slice %arg9[%dma_wait3A_346] : memref<2x!tpu.dma_semaphore, #tpu.memory_space<semaphore_mem>> -> memref<1x!tpu.dma_semaphore, #tpu.memory_space<semaphore_mem>>
    %dma_wait3A_356 = tpu.memref_squeeze %dma_wait3A_355 : memref<1x!tpu.dma_semaphore, #tpu.memory_space<semaphore_mem>> -> memref<!tpu.dma_semaphore, #tpu.memory_space<semaphore_mem>>
    %dma_wait3A_357 = arith.constant 0 : i32
    %dma_wait3A_358 = arith.constant 0 : i32
    %dma_wait3A_359 = tpu.memref_slice %arg4[%dma_wait3A_344, %dma_wait3A_345, %add3A, %dma_wait3A_357, %dma_wait3A_358] : memref<26x8x32x8x128xf32, #tpu.memory_space<hbm>> -> memref<1x1x1x8x128xf32, #tpu.memory_space<hbm>>
    %dma_wait3A_360 = tpu.memref_squeeze %dma_wait3A_359 : memref<1x1x1x8x128xf32, #tpu.memory_space<hbm>> -> memref<8x128xf32, #tpu.memory_space<hbm>>
    %dma_wait3A_361 = arith.constant 48 : i32
    %dma_wait3A_362 = arith.constant 0 : i32
    %dma_wait3A_363 = tpu.memref_slice %arg7[%dma_wait3A_343, %dma_wait3A_361, %dma_wait3A_362] : memref<2x64x129xf32, #tpu.memory_space<vmem>> -> memref<1x8x128xf32, #tpu.memory_space<vmem>>
    %dma_wait3A_364 = tpu.memref_squeeze %dma_wait3A_363 : memref<1x8x128xf32, #tpu.memory_space<vmem>> -> memref<8x128xf32, #tpu.memory_space<vmem>>
    tpu.wait_dma2 semaphore(%dma_wait3A_356 : memref<!tpu.dma_semaphore, #tpu.memory_space<semaphore_mem>>) src(%dma_wait3A_364 : memref<8x128xf32, #tpu.memory_space<vmem>>) dst(%dma_wait3A_360 : memref<8x128xf32, #tpu.memory_space<hbm>>)
    %dma_wait3A_365 = arith.constant 0 : i32
    %dma_wait3A_366 = arith.constant 0 : i32
    %dma_wait3A_367 = arith.constant 7 : i32
    %dma_wait3A_368 = arith.constant 0 : i32
    %dma_wait3A_369 = arith.constant 56 : i32
    %dma_wait3A_370 = arith.constant 0 : i32
    %dma_wait3A_371 = tpu.memref_slice %arg7[%dma_wait3A_365, %dma_wait3A_369, %dma_wait3A_370] : memref<2x64x129xf32, #tpu.memory_space<vmem>> -> memref<1x8x128xf32, #tpu.memory_space<vmem>>
    %dma_wait3A_372 = tpu.memref_squeeze %dma_wait3A_371 : memref<1x8x128xf32, #tpu.memory_space<vmem>> -> memref<8x128xf32, #tpu.memory_space<vmem>>
    %dma_wait3A_373 = arith.constant 0 : i32
    %dma_wait3A_374 = arith.constant 0 : i32
    %dma_wait3A_375 = tpu.memref_slice %arg4[%dma_wait3A_366, %dma_wait3A_367, %add3A, %dma_wait3A_373, %dma_wait3A_374] : memref<26x8x32x8x128xf32, #tpu.memory_space<hbm>> -> memref<1x1x1x8x128xf32, #tpu.memory_space<hbm>>
    %dma_wait3A_376 = tpu.memref_squeeze %dma_wait3A_375 : memref<1x1x1x8x128xf32, #tpu.memory_space<hbm>> -> memref<8x128xf32, #tpu.memory_space<hbm>>
    %dma_wait3A_377 = tpu.memref_slice %arg9[%dma_wait3A_368] : memref<2x!tpu.dma_semaphore, #tpu.memory_space<semaphore_mem>> -> memref<1x!tpu.dma_semaphore, #tpu.memory_space<semaphore_mem>>
    %dma_wait3A_378 = tpu.memref_squeeze %dma_wait3A_377 : memref<1x!tpu.dma_semaphore, #tpu.memory_space<semaphore_mem>> -> memref<!tpu.dma_semaphore, #tpu.memory_space<semaphore_mem>>
    %dma_wait3A_379 = arith.constant 0 : i32
    %dma_wait3A_380 = arith.constant 0 : i32
    %dma_wait3A_381 = tpu.memref_slice %arg4[%dma_wait3A_366, %dma_wait3A_367, %add3A, %dma_wait3A_379, %dma_wait3A_380] : memref<26x8x32x8x128xf32, #tpu.memory_space<hbm>> -> memref<1x1x1x8x128xf32, #tpu.memory_space<hbm>>
    %dma_wait3A_382 = tpu.memref_squeeze %dma_wait3A_381 : memref<1x1x1x8x128xf32, #tpu.memory_space<hbm>> -> memref<8x128xf32, #tpu.memory_space<hbm>>
    %dma_wait3A_383 = arith.constant 56 : i32
    %dma_wait3A_384 = arith.constant 0 : i32
    %dma_wait3A_385 = tpu.memref_slice %arg7[%dma_wait3A_365, %dma_wait3A_383, %dma_wait3A_384] : memref<2x64x129xf32, #tpu.memory_space<vmem>> -> memref<1x8x128xf32, #tpu.memory_space<vmem>>
    %dma_wait3A_386 = tpu.memref_squeeze %dma_wait3A_385 : memref<1x8x128xf32, #tpu.memory_space<vmem>> -> memref<8x128xf32, #tpu.memory_space<vmem>>
    tpu.wait_dma2 semaphore(%dma_wait3A_378 : memref<!tpu.dma_semaphore, #tpu.memory_space<semaphore_mem>>) src(%dma_wait3A_386 : memref<8x128xf32, #tpu.memory_space<vmem>>) dst(%dma_wait3A_382 : memref<8x128xf32, #tpu.memory_space<hbm>>)
    %dma_wait3A_387 = arith.constant 1 : i32
    %dma_wait3A_388 = arith.constant 0 : i32
    %dma_wait3A_389 = arith.constant 0 : i32
    %dma_wait3A_390 = arith.constant 1 : i32
    %dma_wait3A_391 = arith.constant 0 : i32
    %dma_wait3A_392 = arith.constant 0 : i32
    %dma_wait3A_393 = tpu.memref_slice %arg7[%dma_wait3A_387, %dma_wait3A_391, %dma_wait3A_392] : memref<2x64x129xf32, #tpu.memory_space<vmem>> -> memref<1x8x128xf32, #tpu.memory_space<vmem>>
    %dma_wait3A_394 = tpu.memref_squeeze %dma_wait3A_393 : memref<1x8x128xf32, #tpu.memory_space<vmem>> -> memref<8x128xf32, #tpu.memory_space<vmem>>
    %dma_wait3A_395 = arith.constant 0 : i32
    %dma_wait3A_396 = arith.constant 0 : i32
    %dma_wait3A_397 = tpu.memref_slice %arg4[%dma_wait3A_388, %dma_wait3A_389, %add3A, %dma_wait3A_395, %dma_wait3A_396] : memref<26x8x32x8x128xf32, #tpu.memory_space<hbm>> -> memref<1x1x1x8x128xf32, #tpu.memory_space<hbm>>
    %dma_wait3A_398 = tpu.memref_squeeze %dma_wait3A_397 : memref<1x1x1x8x128xf32, #tpu.memory_space<hbm>> -> memref<8x128xf32, #tpu.memory_space<hbm>>
    %dma_wait3A_399 = tpu.memref_slice %arg9[%dma_wait3A_390] : memref<2x!tpu.dma_semaphore, #tpu.memory_space<semaphore_mem>> -> memref<1x!tpu.dma_semaphore, #tpu.memory_space<semaphore_mem>>
    %dma_wait3A_400 = tpu.memref_squeeze %dma_wait3A_399 : memref<1x!tpu.dma_semaphore, #tpu.memory_space<semaphore_mem>> -> memref<!tpu.dma_semaphore, #tpu.memory_space<semaphore_mem>>
    %dma_wait3A_401 = arith.constant 0 : i32
    %dma_wait3A_402 = arith.constant 0 : i32
    %dma_wait3A_403 = tpu.memref_slice %arg4[%dma_wait3A_388, %dma_wait3A_389, %add3A, %dma_wait3A_401, %dma_wait3A_402] : memref<26x8x32x8x128xf32, #tpu.memory_space<hbm>> -> memref<1x1x1x8x128xf32, #tpu.memory_space<hbm>>
    %dma_wait3A_404 = tpu.memref_squeeze %dma_wait3A_403 : memref<1x1x1x8x128xf32, #tpu.memory_space<hbm>> -> memref<8x128xf32, #tpu.memory_space<hbm>>
    %dma_wait3A_405 = arith.constant 0 : i32
    %dma_wait3A_406 = arith.constant 0 : i32
    %dma_wait3A_407 = tpu.memref_slice %arg7[%dma_wait3A_387, %dma_wait3A_405, %dma_wait3A_406] : memref<2x64x129xf32, #tpu.memory_space<vmem>> -> memref<1x8x128xf32, #tpu.memory_space<vmem>>
    %dma_wait3A_408 = tpu.memref_squeeze %dma_wait3A_407 : memref<1x8x128xf32, #tpu.memory_space<vmem>> -> memref<8x128xf32, #tpu.memory_space<vmem>>
    tpu.wait_dma2 semaphore(%dma_wait3A_400 : memref<!tpu.dma_semaphore, #tpu.memory_space<semaphore_mem>>) src(%dma_wait3A_408 : memref<8x128xf32, #tpu.memory_space<vmem>>) dst(%dma_wait3A_404 : memref<8x128xf32, #tpu.memory_space<hbm>>)
    %dma_wait3A_409 = arith.constant 1 : i32
    %dma_wait3A_410 = arith.constant 0 : i32
    %dma_wait3A_411 = arith.constant 1 : i32
    %dma_wait3A_412 = arith.constant 1 : i32
    %dma_wait3A_413 = arith.constant 8 : i32
    %dma_wait3A_414 = arith.constant 0 : i32
    %dma_wait3A_415 = tpu.memref_slice %arg7[%dma_wait3A_409, %dma_wait3A_413, %dma_wait3A_414] : memref<2x64x129xf32, #tpu.memory_space<vmem>> -> memref<1x8x128xf32, #tpu.memory_space<vmem>>
    %dma_wait3A_416 = tpu.memref_squeeze %dma_wait3A_415 : memref<1x8x128xf32, #tpu.memory_space<vmem>> -> memref<8x128xf32, #tpu.memory_space<vmem>>
    %dma_wait3A_417 = arith.constant 0 : i32
    %dma_wait3A_418 = arith.constant 0 : i32
    %dma_wait3A_419 = tpu.memref_slice %arg4[%dma_wait3A_410, %dma_wait3A_411, %add3A, %dma_wait3A_417, %dma_wait3A_418] : memref<26x8x32x8x128xf32, #tpu.memory_space<hbm>> -> memref<1x1x1x8x128xf32, #tpu.memory_space<hbm>>
    %dma_wait3A_420 = tpu.memref_squeeze %dma_wait3A_419 : memref<1x1x1x8x128xf32, #tpu.memory_space<hbm>> -> memref<8x128xf32, #tpu.memory_space<hbm>>
    %dma_wait3A_421 = tpu.memref_slice %arg9[%dma_wait3A_412] : memref<2x!tpu.dma_semaphore, #tpu.memory_space<semaphore_mem>> -> memref<1x!tpu.dma_semaphore, #tpu.memory_space<semaphore_mem>>
    %dma_wait3A_422 = tpu.memref_squeeze %dma_wait3A_421 : memref<1x!tpu.dma_semaphore, #tpu.memory_space<semaphore_mem>> -> memref<!tpu.dma_semaphore, #tpu.memory_space<semaphore_mem>>
    %dma_wait3A_423 = arith.constant 0 : i32
    %dma_wait3A_424 = arith.constant 0 : i32
    %dma_wait3A_425 = tpu.memref_slice %arg4[%dma_wait3A_410, %dma_wait3A_411, %add3A, %dma_wait3A_423, %dma_wait3A_424] : memref<26x8x32x8x128xf32, #tpu.memory_space<hbm>> -> memref<1x1x1x8x128xf32, #tpu.memory_space<hbm>>
    %dma_wait3A_426 = tpu.memref_squeeze %dma_wait3A_425 : memref<1x1x1x8x128xf32, #tpu.memory_space<hbm>> -> memref<8x128xf32, #tpu.memory_space<hbm>>
    %dma_wait3A_427 = arith.constant 8 : i32
    %dma_wait3A_428 = arith.constant 0 : i32
    %dma_wait3A_429 = tpu.memref_slice %arg7[%dma_wait3A_409, %dma_wait3A_427, %dma_wait3A_428] : memref<2x64x129xf32, #tpu.memory_space<vmem>> -> memref<1x8x128xf32, #tpu.memory_space<vmem>>
    %dma_wait3A_430 = tpu.memref_squeeze %dma_wait3A_429 : memref<1x8x128xf32, #tpu.memory_space<vmem>> -> memref<8x128xf32, #tpu.memory_space<vmem>>
    tpu.wait_dma2 semaphore(%dma_wait3A_422 : memref<!tpu.dma_semaphore, #tpu.memory_space<semaphore_mem>>) src(%dma_wait3A_430 : memref<8x128xf32, #tpu.memory_space<vmem>>) dst(%dma_wait3A_426 : memref<8x128xf32, #tpu.memory_space<hbm>>)
    %dma_wait3A_431 = arith.constant 1 : i32
    %dma_wait3A_432 = arith.constant 0 : i32
    %dma_wait3A_433 = arith.constant 2 : i32
    %dma_wait3A_434 = arith.constant 1 : i32
    %dma_wait3A_435 = arith.constant 16 : i32
    %dma_wait3A_436 = arith.constant 0 : i32
    %dma_wait3A_437 = tpu.memref_slice %arg7[%dma_wait3A_431, %dma_wait3A_435, %dma_wait3A_436] : memref<2x64x129xf32, #tpu.memory_space<vmem>> -> memref<1x8x128xf32, #tpu.memory_space<vmem>>
    %dma_wait3A_438 = tpu.memref_squeeze %dma_wait3A_437 : memref<1x8x128xf32, #tpu.memory_space<vmem>> -> memref<8x128xf32, #tpu.memory_space<vmem>>
    %dma_wait3A_439 = arith.constant 0 : i32
    %dma_wait3A_440 = arith.constant 0 : i32
    %dma_wait3A_441 = tpu.memref_slice %arg4[%dma_wait3A_432, %dma_wait3A_433, %add3A, %dma_wait3A_439, %dma_wait3A_440] : memref<26x8x32x8x128xf32, #tpu.memory_space<hbm>> -> memref<1x1x1x8x128xf32, #tpu.memory_space<hbm>>
    %dma_wait3A_442 = tpu.memref_squeeze %dma_wait3A_441 : memref<1x1x1x8x128xf32, #tpu.memory_space<hbm>> -> memref<8x128xf32, #tpu.memory_space<hbm>>
    %dma_wait3A_443 = tpu.memref_slice %arg9[%dma_wait3A_434] : memref<2x!tpu.dma_semaphore, #tpu.memory_space<semaphore_mem>> -> memref<1x!tpu.dma_semaphore, #tpu.memory_space<semaphore_mem>>
    %dma_wait3A_444 = tpu.memref_squeeze %dma_wait3A_443 : memref<1x!tpu.dma_semaphore, #tpu.memory_space<semaphore_mem>> -> memref<!tpu.dma_semaphore, #tpu.memory_space<semaphore_mem>>
    %dma_wait3A_445 = arith.constant 0 : i32
    %dma_wait3A_446 = arith.constant 0 : i32
    %dma_wait3A_447 = tpu.memref_slice %arg4[%dma_wait3A_432, %dma_wait3A_433, %add3A, %dma_wait3A_445, %dma_wait3A_446] : memref<26x8x32x8x128xf32, #tpu.memory_space<hbm>> -> memref<1x1x1x8x128xf32, #tpu.memory_space<hbm>>
    %dma_wait3A_448 = tpu.memref_squeeze %dma_wait3A_447 : memref<1x1x1x8x128xf32, #tpu.memory_space<hbm>> -> memref<8x128xf32, #tpu.memory_space<hbm>>
    %dma_wait3A_449 = arith.constant 16 : i32
    %dma_wait3A_450 = arith.constant 0 : i32
    %dma_wait3A_451 = tpu.memref_slice %arg7[%dma_wait3A_431, %dma_wait3A_449, %dma_wait3A_450] : memref<2x64x129xf32, #tpu.memory_space<vmem>> -> memref<1x8x128xf32, #tpu.memory_space<vmem>>
    %dma_wait3A_452 = tpu.memref_squeeze %dma_wait3A_451 : memref<1x8x128xf32, #tpu.memory_space<vmem>> -> memref<8x128xf32, #tpu.memory_space<vmem>>
    tpu.wait_dma2 semaphore(%dma_wait3A_444 : memref<!tpu.dma_semaphore, #tpu.memory_space<semaphore_mem>>) src(%dma_wait3A_452 : memref<8x128xf32, #tpu.memory_space<vmem>>) dst(%dma_wait3A_448 : memref<8x128xf32, #tpu.memory_space<hbm>>)
    %dma_wait3A_453 = arith.constant 1 : i32
    %dma_wait3A_454 = arith.constant 0 : i32
    %dma_wait3A_455 = arith.constant 3 : i32
    %dma_wait3A_456 = arith.constant 1 : i32
    %dma_wait3A_457 = arith.constant 24 : i32
    %dma_wait3A_458 = arith.constant 0 : i32
    %dma_wait3A_459 = tpu.memref_slice %arg7[%dma_wait3A_453, %dma_wait3A_457, %dma_wait3A_458] : memref<2x64x129xf32, #tpu.memory_space<vmem>> -> memref<1x8x128xf32, #tpu.memory_space<vmem>>
    %dma_wait3A_460 = tpu.memref_squeeze %dma_wait3A_459 : memref<1x8x128xf32, #tpu.memory_space<vmem>> -> memref<8x128xf32, #tpu.memory_space<vmem>>
    %dma_wait3A_461 = arith.constant 0 : i32
    %dma_wait3A_462 = arith.constant 0 : i32
    %dma_wait3A_463 = tpu.memref_slice %arg4[%dma_wait3A_454, %dma_wait3A_455, %add3A, %dma_wait3A_461, %dma_wait3A_462] : memref<26x8x32x8x128xf32, #tpu.memory_space<hbm>> -> memref<1x1x1x8x128xf32, #tpu.memory_space<hbm>>
    %dma_wait3A_464 = tpu.memref_squeeze %dma_wait3A_463 : memref<1x1x1x8x128xf32, #tpu.memory_space<hbm>> -> memref<8x128xf32, #tpu.memory_space<hbm>>
    %dma_wait3A_465 = tpu.memref_slice %arg9[%dma_wait3A_456] : memref<2x!tpu.dma_semaphore, #tpu.memory_space<semaphore_mem>> -> memref<1x!tpu.dma_semaphore, #tpu.memory_space<semaphore_mem>>
    %dma_wait3A_466 = tpu.memref_squeeze %dma_wait3A_465 : memref<1x!tpu.dma_semaphore, #tpu.memory_space<semaphore_mem>> -> memref<!tpu.dma_semaphore, #tpu.memory_space<semaphore_mem>>
    %dma_wait3A_467 = arith.constant 0 : i32
    %dma_wait3A_468 = arith.constant 0 : i32
    %dma_wait3A_469 = tpu.memref_slice %arg4[%dma_wait3A_454, %dma_wait3A_455, %add3A, %dma_wait3A_467, %dma_wait3A_468] : memref<26x8x32x8x128xf32, #tpu.memory_space<hbm>> -> memref<1x1x1x8x128xf32, #tpu.memory_space<hbm>>
    %dma_wait3A_470 = tpu.memref_squeeze %dma_wait3A_469 : memref<1x1x1x8x128xf32, #tpu.memory_space<hbm>> -> memref<8x128xf32, #tpu.memory_space<hbm>>
    %dma_wait3A_471 = arith.constant 24 : i32
    %dma_wait3A_472 = arith.constant 0 : i32
    %dma_wait3A_473 = tpu.memref_slice %arg7[%dma_wait3A_453, %dma_wait3A_471, %dma_wait3A_472] : memref<2x64x129xf32, #tpu.memory_space<vmem>> -> memref<1x8x128xf32, #tpu.memory_space<vmem>>
    %dma_wait3A_474 = tpu.memref_squeeze %dma_wait3A_473 : memref<1x8x128xf32, #tpu.memory_space<vmem>> -> memref<8x128xf32, #tpu.memory_space<vmem>>
    tpu.wait_dma2 semaphore(%dma_wait3A_466 : memref<!tpu.dma_semaphore, #tpu.memory_space<semaphore_mem>>) src(%dma_wait3A_474 : memref<8x128xf32, #tpu.memory_space<vmem>>) dst(%dma_wait3A_470 : memref<8x128xf32, #tpu.memory_space<hbm>>)
    %dma_wait3A_475 = arith.constant 1 : i32
    %dma_wait3A_476 = arith.constant 0 : i32
    %dma_wait3A_477 = arith.constant 4 : i32
    %dma_wait3A_478 = arith.constant 1 : i32
    %dma_wait3A_479 = arith.constant 32 : i32
    %dma_wait3A_480 = arith.constant 0 : i32
    %dma_wait3A_481 = tpu.memref_slice %arg7[%dma_wait3A_475, %dma_wait3A_479, %dma_wait3A_480] : memref<2x64x129xf32, #tpu.memory_space<vmem>> -> memref<1x8x128xf32, #tpu.memory_space<vmem>>
    %dma_wait3A_482 = tpu.memref_squeeze %dma_wait3A_481 : memref<1x8x128xf32, #tpu.memory_space<vmem>> -> memref<8x128xf32, #tpu.memory_space<vmem>>
    %dma_wait3A_483 = arith.constant 0 : i32
    %dma_wait3A_484 = arith.constant 0 : i32
    %dma_wait3A_485 = tpu.memref_slice %arg4[%dma_wait3A_476, %dma_wait3A_477, %add3A, %dma_wait3A_483, %dma_wait3A_484] : memref<26x8x32x8x128xf32, #tpu.memory_space<hbm>> -> memref<1x1x1x8x128xf32, #tpu.memory_space<hbm>>
    %dma_wait3A_486 = tpu.memref_squeeze %dma_wait3A_485 : memref<1x1x1x8x128xf32, #tpu.memory_space<hbm>> -> memref<8x128xf32, #tpu.memory_space<hbm>>
    %dma_wait3A_487 = tpu.memref_slice %arg9[%dma_wait3A_478] : memref<2x!tpu.dma_semaphore, #tpu.memory_space<semaphore_mem>> -> memref<1x!tpu.dma_semaphore, #tpu.memory_space<semaphore_mem>>
    %dma_wait3A_488 = tpu.memref_squeeze %dma_wait3A_487 : memref<1x!tpu.dma_semaphore, #tpu.memory_space<semaphore_mem>> -> memref<!tpu.dma_semaphore, #tpu.memory_space<semaphore_mem>>
    %dma_wait3A_489 = arith.constant 0 : i32
    %dma_wait3A_490 = arith.constant 0 : i32
    %dma_wait3A_491 = tpu.memref_slice %arg4[%dma_wait3A_476, %dma_wait3A_477, %add3A, %dma_wait3A_489, %dma_wait3A_490] : memref<26x8x32x8x128xf32, #tpu.memory_space<hbm>> -> memref<1x1x1x8x128xf32, #tpu.memory_space<hbm>>
    %dma_wait3A_492 = tpu.memref_squeeze %dma_wait3A_491 : memref<1x1x1x8x128xf32, #tpu.memory_space<hbm>> -> memref<8x128xf32, #tpu.memory_space<hbm>>
    %dma_wait3A_493 = arith.constant 32 : i32
    %dma_wait3A_494 = arith.constant 0 : i32
    %dma_wait3A_495 = tpu.memref_slice %arg7[%dma_wait3A_475, %dma_wait3A_493, %dma_wait3A_494] : memref<2x64x129xf32, #tpu.memory_space<vmem>> -> memref<1x8x128xf32, #tpu.memory_space<vmem>>
    %dma_wait3A_496 = tpu.memref_squeeze %dma_wait3A_495 : memref<1x8x128xf32, #tpu.memory_space<vmem>> -> memref<8x128xf32, #tpu.memory_space<vmem>>
    tpu.wait_dma2 semaphore(%dma_wait3A_488 : memref<!tpu.dma_semaphore, #tpu.memory_space<semaphore_mem>>) src(%dma_wait3A_496 : memref<8x128xf32, #tpu.memory_space<vmem>>) dst(%dma_wait3A_492 : memref<8x128xf32, #tpu.memory_space<hbm>>)
    %dma_wait3A_497 = arith.constant 1 : i32
    %dma_wait3A_498 = arith.constant 0 : i32
    %dma_wait3A_499 = arith.constant 5 : i32
    %dma_wait3A_500 = arith.constant 1 : i32
    %dma_wait3A_501 = arith.constant 40 : i32
    %dma_wait3A_502 = arith.constant 0 : i32
    %dma_wait3A_503 = tpu.memref_slice %arg7[%dma_wait3A_497, %dma_wait3A_501, %dma_wait3A_502] : memref<2x64x129xf32, #tpu.memory_space<vmem>> -> memref<1x8x128xf32, #tpu.memory_space<vmem>>
    %dma_wait3A_504 = tpu.memref_squeeze %dma_wait3A_503 : memref<1x8x128xf32, #tpu.memory_space<vmem>> -> memref<8x128xf32, #tpu.memory_space<vmem>>
    %dma_wait3A_505 = arith.constant 0 : i32
    %dma_wait3A_506 = arith.constant 0 : i32
    %dma_wait3A_507 = tpu.memref_slice %arg4[%dma_wait3A_498, %dma_wait3A_499, %add3A, %dma_wait3A_505, %dma_wait3A_506] : memref<26x8x32x8x128xf32, #tpu.memory_space<hbm>> -> memref<1x1x1x8x128xf32, #tpu.memory_space<hbm>>
    %dma_wait3A_508 = tpu.memref_squeeze %dma_wait3A_507 : memref<1x1x1x8x128xf32, #tpu.memory_space<hbm>> -> memref<8x128xf32, #tpu.memory_space<hbm>>
    %dma_wait3A_509 = tpu.memref_slice %arg9[%dma_wait3A_500] : memref<2x!tpu.dma_semaphore, #tpu.memory_space<semaphore_mem>> -> memref<1x!tpu.dma_semaphore, #tpu.memory_space<semaphore_mem>>
    %dma_wait3A_510 = tpu.memref_squeeze %dma_wait3A_509 : memref<1x!tpu.dma_semaphore, #tpu.memory_space<semaphore_mem>> -> memref<!tpu.dma_semaphore, #tpu.memory_space<semaphore_mem>>
    %dma_wait3A_511 = arith.constant 0 : i32
    %dma_wait3A_512 = arith.constant 0 : i32
    %dma_wait3A_513 = tpu.memref_slice %arg4[%dma_wait3A_498, %dma_wait3A_499, %add3A, %dma_wait3A_511, %dma_wait3A_512] : memref<26x8x32x8x128xf32, #tpu.memory_space<hbm>> -> memref<1x1x1x8x128xf32, #tpu.memory_space<hbm>>
    %dma_wait3A_514 = tpu.memref_squeeze %dma_wait3A_513 : memref<1x1x1x8x128xf32, #tpu.memory_space<hbm>> -> memref<8x128xf32, #tpu.memory_space<hbm>>
    %dma_wait3A_515 = arith.constant 40 : i32
    %dma_wait3A_516 = arith.constant 0 : i32
    %dma_wait3A_517 = tpu.memref_slice %arg7[%dma_wait3A_497, %dma_wait3A_515, %dma_wait3A_516] : memref<2x64x129xf32, #tpu.memory_space<vmem>> -> memref<1x8x128xf32, #tpu.memory_space<vmem>>
    %dma_wait3A_518 = tpu.memref_squeeze %dma_wait3A_517 : memref<1x8x128xf32, #tpu.memory_space<vmem>> -> memref<8x128xf32, #tpu.memory_space<vmem>>
    tpu.wait_dma2 semaphore(%dma_wait3A_510 : memref<!tpu.dma_semaphore, #tpu.memory_space<semaphore_mem>>) src(%dma_wait3A_518 : memref<8x128xf32, #tpu.memory_space<vmem>>) dst(%dma_wait3A_514 : memref<8x128xf32, #tpu.memory_space<hbm>>)
    %dma_wait3A_519 = arith.constant 1 : i32
    %dma_wait3A_520 = arith.constant 0 : i32
    %dma_wait3A_521 = arith.constant 6 : i32
    %dma_wait3A_522 = arith.constant 1 : i32
    %dma_wait3A_523 = arith.constant 48 : i32
    %dma_wait3A_524 = arith.constant 0 : i32
    %dma_wait3A_525 = tpu.memref_slice %arg7[%dma_wait3A_519, %dma_wait3A_523, %dma_wait3A_524] : memref<2x64x129xf32, #tpu.memory_space<vmem>> -> memref<1x8x128xf32, #tpu.memory_space<vmem>>
    %dma_wait3A_526 = tpu.memref_squeeze %dma_wait3A_525 : memref<1x8x128xf32, #tpu.memory_space<vmem>> -> memref<8x128xf32, #tpu.memory_space<vmem>>
    %dma_wait3A_527 = arith.constant 0 : i32
    %dma_wait3A_528 = arith.constant 0 : i32
    %dma_wait3A_529 = tpu.memref_slice %arg4[%dma_wait3A_520, %dma_wait3A_521, %add3A, %dma_wait3A_527, %dma_wait3A_528] : memref<26x8x32x8x128xf32, #tpu.memory_space<hbm>> -> memref<1x1x1x8x128xf32, #tpu.memory_space<hbm>>
    %dma_wait3A_530 = tpu.memref_squeeze %dma_wait3A_529 : memref<1x1x1x8x128xf32, #tpu.memory_space<hbm>> -> memref<8x128xf32, #tpu.memory_space<hbm>>
    %dma_wait3A_531 = tpu.memref_slice %arg9[%dma_wait3A_522] : memref<2x!tpu.dma_semaphore, #tpu.memory_space<semaphore_mem>> -> memref<1x!tpu.dma_semaphore, #tpu.memory_space<semaphore_mem>>
    %dma_wait3A_532 = tpu.memref_squeeze %dma_wait3A_531 : memref<1x!tpu.dma_semaphore, #tpu.memory_space<semaphore_mem>> -> memref<!tpu.dma_semaphore, #tpu.memory_space<semaphore_mem>>
    %dma_wait3A_533 = arith.constant 0 : i32
    %dma_wait3A_534 = arith.constant 0 : i32
    %dma_wait3A_535 = tpu.memref_slice %arg4[%dma_wait3A_520, %dma_wait3A_521, %add3A, %dma_wait3A_533, %dma_wait3A_534] : memref<26x8x32x8x128xf32, #tpu.memory_space<hbm>> -> memref<1x1x1x8x128xf32, #tpu.memory_space<hbm>>
    %dma_wait3A_536 = tpu.memref_squeeze %dma_wait3A_535 : memref<1x1x1x8x128xf32, #tpu.memory_space<hbm>> -> memref<8x128xf32, #tpu.memory_space<hbm>>
    %dma_wait3A_537 = arith.constant 48 : i32
    %dma_wait3A_538 = arith.constant 0 : i32
    %dma_wait3A_539 = tpu.memref_slice %arg7[%dma_wait3A_519, %dma_wait3A_537, %dma_wait3A_538] : memref<2x64x129xf32, #tpu.memory_space<vmem>> -> memref<1x8x128xf32, #tpu.memory_space<vmem>>
    %dma_wait3A_540 = tpu.memref_squeeze %dma_wait3A_539 : memref<1x8x128xf32, #tpu.memory_space<vmem>> -> memref<8x128xf32, #tpu.memory_space<vmem>>
    tpu.wait_dma2 semaphore(%dma_wait3A_532 : memref<!tpu.dma_semaphore, #tpu.memory_space<semaphore_mem>>) src(%dma_wait3A_540 : memref<8x128xf32, #tpu.memory_space<vmem>>) dst(%dma_wait3A_536 : memref<8x128xf32, #tpu.memory_space<hbm>>)
    %dma_wait3A_541 = arith.constant 1 : i32
    %dma_wait3A_542 = arith.constant 0 : i32
    %dma_wait3A_543 = arith.constant 7 : i32
    %dma_wait3A_544 = arith.constant 1 : i32
    %dma_wait3A_545 = arith.constant 56 : i32
    %dma_wait3A_546 = arith.constant 0 : i32
    %dma_wait3A_547 = tpu.memref_slice %arg7[%dma_wait3A_541, %dma_wait3A_545, %dma_wait3A_546] : memref<2x64x129xf32, #tpu.memory_space<vmem>> -> memref<1x8x128xf32, #tpu.memory_space<vmem>>
    %dma_wait3A_548 = tpu.memref_squeeze %dma_wait3A_547 : memref<1x8x128xf32, #tpu.memory_space<vmem>> -> memref<8x128xf32, #tpu.memory_space<vmem>>
    %dma_wait3A_549 = arith.constant 0 : i32
    %dma_wait3A_550 = arith.constant 0 : i32
    %dma_wait3A_551 = tpu.memref_slice %arg4[%dma_wait3A_542, %dma_wait3A_543, %add3A, %dma_wait3A_549, %dma_wait3A_550] : memref<26x8x32x8x128xf32, #tpu.memory_space<hbm>> -> memref<1x1x1x8x128xf32, #tpu.memory_space<hbm>>
    %dma_wait3A_552 = tpu.memref_squeeze %dma_wait3A_551 : memref<1x1x1x8x128xf32, #tpu.memory_space<hbm>> -> memref<8x128xf32, #tpu.memory_space<hbm>>
    %dma_wait3A_553 = tpu.memref_slice %arg9[%dma_wait3A_544] : memref<2x!tpu.dma_semaphore, #tpu.memory_space<semaphore_mem>> -> memref<1x!tpu.dma_semaphore, #tpu.memory_space<semaphore_mem>>
    %dma_wait3A_554 = tpu.memref_squeeze %dma_wait3A_553 : memref<1x!tpu.dma_semaphore, #tpu.memory_space<semaphore_mem>> -> memref<!tpu.dma_semaphore, #tpu.memory_space<semaphore_mem>>
    %dma_wait3A_555 = arith.constant 0 : i32
    %dma_wait3A_556 = arith.constant 0 : i32
    %dma_wait3A_557 = tpu.memref_slice %arg4[%dma_wait3A_542, %dma_wait3A_543, %add3A, %dma_wait3A_555, %dma_wait3A_556] : memref<26x8x32x8x128xf32, #tpu.memory_space<hbm>> -> memref<1x1x1x8x128xf32, #tpu.memory_space<hbm>>
    %dma_wait3A_558 = tpu.memref_squeeze %dma_wait3A_557 : memref<1x1x1x8x128xf32, #tpu.memory_space<hbm>> -> memref<8x128xf32, #tpu.memory_space<hbm>>
    %dma_wait3A_559 = arith.constant 56 : i32
    %dma_wait3A_560 = arith.constant 0 : i32
    %dma_wait3A_561 = tpu.memref_slice %arg7[%dma_wait3A_541, %dma_wait3A_559, %dma_wait3A_560] : memref<2x64x129xf32, #tpu.memory_space<vmem>> -> memref<1x8x128xf32, #tpu.memory_space<vmem>>
    %dma_wait3A_562 = tpu.memref_squeeze %dma_wait3A_561 : memref<1x8x128xf32, #tpu.memory_space<vmem>> -> memref<8x128xf32, #tpu.memory_space<vmem>>
    tpu.wait_dma2 semaphore(%dma_wait3A_554 : memref<!tpu.dma_semaphore, #tpu.memory_space<semaphore_mem>>) src(%dma_wait3A_562 : memref<8x128xf32, #tpu.memory_space<vmem>>) dst(%dma_wait3A_558 : memref<8x128xf32, #tpu.memory_space<hbm>>)
    return
  }
}

</mosaic_0001>

<sc_bundles>
// kernel: kernel.3.cloned.1.call-start
scs
__scs_entry_jumppad:
0x0: {  	(pc) =	sbr.rel $0x88, $3  }
0x1: {  	(tag) =	ssettag $0x0;
	lr =	simm.s32 $0x1  }
0x2: {  	[smem:$0x3F9F] =	sst lr;
	_ =	strace $0xD0000000  }
0x3: {  	_ = 	snop  }
0x4: {  	_ = 	snop  }
0x5: {  	_ = 	snop  }
0x6: {  	_ = 	snop  }
0x7: {  	_ = 	snop  }
__scs_overlays_trampoline_lowered:
0x8: {  	[smem:$0x3FAE] =	sst s0  }
0x9: {  	[smem:$0x3FAF] =	sst s1  }
0xa: {  	[smem:$0x3FB0] =	sst s2  }
0xb: {  	[smem:$0x3FB1] =	sst s3  }
0xc: {  	[smem:$0x3FB2] =	sst s4  }
0xd: {  	[smem:$0x3FB3] =	sst s5  }
0xe: {  	[smem:$0x3FB4] =	sst s6  }
0xf: {  	[smem:$0x3FB5] =	sst s7  }
0x10: {  	[smem:$0x3FB6] =	sst s8  }
0x11: {  	[smem:$0x3FB7] =	sst s9;
	s0 =	simm.s32 @!p0 $0x0  }
0x12: {  	s1 =	sld [smem:$0x3F9D];
	s0 =	simm.s32 @p0 $0x1  }
0x13: {  	[smem:$0x3FB8] =	sst s0;
	s0 =	simm.s32 @!p1 $0x0  }
0x14: {  	s2 =	sld [smem:$0x3F9C];
	s0 =	simm.s32 @p1 $0x1  }
0x15: {  	[smem:$0x3FB9] =	sst s0;
	s0 =	simm.s32 @!p2 $0x0  }
0x16: {  	s3 =	sld [smem:$0x3FDB];
	s0 =	simm.s32 @p2 $0x1  }
0x17: {  	s4 =	simm.s32 $0x1BF5;
	[smem:$0x3FBB] =	sst s0  }
0x18: {  	s0 =	sld [smem:$0x3F9E];
	_ =	swait.ge [sflag:s4], $0x0  }
0x19: {  	s7 =	sld [smem:$0x3F9F]  }
0x1a: {  	s8 =	sadd.s32 $0xFFFFE003, lr  }
0x1b: {  	s9 =	sadd.s32 $0xFFFFFEF7, lr;
	s5 =	simm.s32 $0xFFFFFFFF;
	p2 =	slt.u32 s8, $0xFFFFF086  }
0x1c: {  	p1 =	slt.u32 s9, $0xF7A;
	s5 =	simm.s32 @!p2 $0x0  }
0x1d: {  	s5 =	simm.s32 @p1 $0x1;
	p0 =	seq.s32 s7, s2  }
0x1e: {  	s7 =	smul.u32 @!p0 $0xF7A, s2;
	p2 =	seq.s32 @!p0 s5, $0x0  }
0x1f: {  	s9 =	smul.u32 $0xF7A, s1;
	s8 =	simm.s32 @!p0 $0x1BF5;
	p2 =	por !p2, p0  }
0x20: {  	[sflag:s8] =	ssyncset.s32 @!p0 $0xFFFFF086;
	s6 =	sadd.s32 @!p0 s3, s7;
	s7 =	simm.s32 @!p0 $0x108  }
0x21: {  	s3 =	sadd.s32 s3, s9;
	s6 =	sadd.s32 @!p0 $0x88, s6;
	s7 =	simm.s32 @p2 $0x1082  }
0x22: {  	[simem:s7], [sflag:s8] =	dma.local @!p0 [hbm:s6], $0xF7A  }
0x23: {  	s9 =	sor.u32 $0xD0000000, s2;
	s6 =	simm.s32 $0x108;
	_ =	swait.ge @!p0 [sflag:s8], $0x0  }
0x24: {  	s3 =	sadd.s32 $0x88, s3;
	s6 =	simm.s32 @!p1 $0x1082;
	[sflag:s4] =	ssyncset.s32 $0xFFFFF086  }
0x25: {  	[simem:s6], [sflag:s4] =	dma.local [hbm:s3], $0xF7A  }
0x26: {  	[smem:$0x3F9F] =	sst s1;
	(tag) =	ssettag s2;
	_ =	strace s9  }
0x27: {  	s1 =	sld [smem:$0x3FAF]  }
0x28: {  	s2 =	sld [smem:$0x3FB0]  }
0x29: {  	s4 =	sld [smem:$0x3FB2]  }
0x2a: {  	p0 =	seq.s32 s5, $0x0;
	s5 =	sld [smem:$0x3FB3]  }
0x2b: {  	s6 =	sld [smem:$0x3FB4]  }
0x2c: {  	s7 =	sld [smem:$0x3FB5]  }
0x2d: {  	s3 =	simm.s32 $0x108;
	s8 =	sld [smem:$0x3FB6]  }
0x2e: {  	s3 =	simm.s32 @!p0 $0x1082;
	s9 =	sld [smem:$0x3FB7]  }
0x2f: {  	lr =	sadd.s32 s0, s3;
	s0 =	sld [smem:$0x3FAE]  }
0x30: {  	s3 =	sld [smem:$0x3FB1]  }
0x31: {  	[smem:$0x3FBA] =	sst s10  }
0x32: {  	s10 =	sld [smem:$0x3FB8];
	_ =	sdelay $0x3  }
0x33: {  	p0 =	seq.s32 s10, $0x1;
	s10 =	sld [smem:$0x3FBA];
	_ =	sdelay $0x3  }
0x34: {  	[smem:$0x3FBA] =	sst s10  }
0x35: {  	s10 =	sld [smem:$0x3FB9];
	_ =	sdelay $0x3  }
0x36: {  	p1 =	seq.s32 s10, $0x1;
	s10 =	sld [smem:$0x3FBA];
	_ =	sdelay $0x3  }
0x37: {  	[smem:$0x3FBA] =	sst s10  }
0x38: {  	s10 =	sld [smem:$0x3FBB]  }
0x39: {  	_ = 	snop;
	(pc) =	sbr.ind lr, $3  }
0x3a: {  	_ = 	snop  }
0x3b: {  	_ = 	snop  }
0x3c: {  	p2 =	seq.s32 s10, $0x1;
	s10 =	sld [smem:$0x3FBA]  }
0x3d: {  	_ =	shalt  }
0x3e: {  	_ =	shalt  }
0x3f: {  	_ =	shalt  }
0x40: {  	_ =	shalt  }
0x41: {  	_ =	shalt  }
0x42: {  	_ =	shalt  }
0x43: {  	_ =	shalt  }
0x44: {  	_ =	shalt  }
0x45: {  	_ =	shalt  }
0x46: {  	_ =	shalt  }
0x47: {  	_ =	shalt  }
0x48: {  	_ =	shalt  }
0x49: {  	_ =	shalt  }
0x4a: {  	_ =	shalt  }
0x4b: {  	_ =	shalt  }
0x4c: {  	_ =	shalt  }
0x4d: {  	_ =	shalt  }
0x4e: {  	_ =	shalt  }
0x4f: {  	_ =	shalt  }
0x50: {  	_ =	shalt  }
0x51: {  	_ =	shalt  }
0x52: {  	_ =	shalt  }
0x53: {  	_ =	shalt  }
0x54: {  	_ =	shalt  }
0x55: {  	_ =	shalt  }
0x56: {  	_ =	shalt  }
0x57: {  	_ =	shalt  }
0x58: {  	_ =	shalt  }
0x59: {  	_ =	shalt  }
0x5a: {  	_ =	shalt  }
0x5b: {  	_ =	shalt  }
0x5c: {  	_ =	shalt  }
0x5d: {  	_ =	shalt  }
0x5e: {  	_ =	shalt  }
0x5f: {  	_ =	shalt  }
0x60: {  	_ =	shalt  }
0x61: {  	_ =	shalt  }
0x62: {  	_ =	shalt  }
0x63: {  	_ =	shalt  }
0x64: {  	_ =	shalt  }
0x65: {  	_ =	shalt  }
0x66: {  	_ =	shalt  }
0x67: {  	_ =	shalt  }
0x68: {  	_ =	shalt  }
0x69: {  	_ =	shalt  }
0x6a: {  	_ =	shalt  }
0x6b: {  	_ =	shalt  }
0x6c: {  	_ =	shalt  }
0x6d: {  	_ =	shalt  }
0x6e: {  	_ =	shalt  }
0x6f: {  	_ =	shalt  }
0x70: {  	_ =	shalt  }
0x71: {  	_ =	shalt  }
0x72: {  	_ =	shalt  }
0x73: {  	_ =	shalt  }
0x74: {  	_ =	shalt  }
0x75: {  	_ =	shalt  }
0x76: {  	_ =	shalt  }
0x77: {  	_ =	shalt  }
0x78: {  	_ =	shalt  }
0x79: {  	_ =	shalt  }
0x7a: {  	_ =	shalt  }
0x7b: {  	_ =	shalt  }
0x7c: {  	_ =	shalt  }
0x7d: {  	_ =	shalt  }
0x7e: {  	_ =	shalt  }
0x7f: {  	_ =	shalt  }
0x80: {  	_ =	shalt  }
0x81: {  	_ =	shalt  }
0x82: {  	_ =	shalt  }
0x83: {  	_ =	shalt  }
0x84: {  	_ =	shalt  }
0x85: {  	_ =	shalt  }
0x86: {  	_ =	shalt  }
0x87: {  	_ =	shalt  }
.Lfunc_end0:
.L_simem_size_0:
called_computation_lowered:
.L_overlay_start_0:
0x88: {  	s2 =	sld [smem:$0x3FD9]  }
0x89: {  	s3 =	sld [smem:$0x3FFE];
	_ =	sdelay $0x1  }
0x8a: {  	s1 =	srdreg.scid  }
0x8b: {  	s0 =	sand.u32 $0x1, s1  }
0x8c: {  	s17 =	sshll.u32 s0, $0xA;
	s2 =	sadd.s32 s3, s2  }
0x8d: {  	s2 =	sadd.s32 s2, s17  }
0x8e: {  	[smem:$0x3FC6] =	sst s2  }
0x8f: {  	_ = 	snop  }
0x90: {  	s2 =	sld [smem:$0x3FD0];
	(tm) =	ssettm $0x1  }
0x91: {  	s18 =	sld [smem:$0x3FFB];
	_ =	sdelay $0x3  }
0x92: {  	_ =	strace s18  }
0x93: {  	s3 =	sld [smem:$0x3FFC];
	_ =	sdelay $0x3  }
0x94: {  	_ =	strace s3  }
0x95: {  	s3 =	sld [smem:$0x3FFD];
	_ =	sdelay $0x3  }
0x96: {  	_ =	strace s3  }
0x97: {  	_ =	strace $0x8FFFFFFF  }
0x98: {  	s19 =	sld [smem:$0x3FDB];
	_ =	sdelay $0x1  }
0x99: {  	s4 =	simm.s32 $_scs_section_size  }
0x9a: {  	s5 =	simm.s32 $_size__tile_overlayer_lowered;
	s6 =	simm.s32 $_tile_overlayer_lowered  }
0x9b: {  	s22 =	simm.s32 $0x1BFF;
	s21 =	sshll.u32 s6, $0x1;
	s3 =	sadd.s32 s4, s19  }
0x9c: {  	s7 =	simm.s32 $0x0;
	s20 =	sshll.u32 s5, $0x1;
	s5 =	sadd.s32 s21, s3  }
0x9d: {  	[timem:s7], [sflag:s22] =	dma.local [hbm:s5], s20  }
0x9e: {  	_ =	swait.ge [sflag:s22], s20  }
0x9f: {  	s4 =	ssub.s32 $0x0, s20;
	[sflag:s22] =	ssyncset.done $0x0  }
0xa0: {  	[sflag:s22] =	ssyncadd.s32 s4;
	_ =	sdelay $0x1  }
0xa1: {  	s23 =	simm.s32 $0x1B8B  }
0xa2: {  	_ =	swait.ge [sflag:s23], $0x1  }
0xa3: {  	[sflag:s23] =	ssyncset.done $0x0  }
0xa4: {  	s25 =	simm.s32 $0x1B8E;
	s24 =	sld [smem:$0x3FFE];
	[sflag:s23] =	ssyncadd.s32 $0xFFFFFFFF  }
0xa5: {  	s26 =	simm.s32 $execute0_lowered;
	[smem:$0x3FD2] =	sst s25  }
0xa6: {  	s5 =	sshll.u32 s26, $0x1;
	_ =	strace $0x80000046;
	[dreg:$0x1] =	wrdreg $0xFFFFFFFF  }
0xa7: {  	s28 =	simm.s32 $_size_execute0_lowered;
	s3 =	sadd.s32 s3, s5;
	[dreg:$0x0] =	wrdreg $0x0  }
0xa8: {  	s5 =	sshll.u32 s28, $0x1;
	[dreg:$0x2] =	wrdreg s3  }
0xa9: {  	[dreg:$0x3] =	wrdreg s5  }
0xaa: {  	[dreg:$0x4] =	wrdreg $0xC0  }
0xab: {  	_ =	task [dreg:s7], $0x5FFFF  }
0xac: {  	[dreg:$0x1] =	wrdreg $0xFFFFFFFF  }
0xad: {  	[dreg:$0x0] =	wrdreg $0x60  }
0xae: {  	[dreg:$0x2] =	wrdreg s24  }
0xaf: {  	[dreg:$0x3] =	wrdreg s2  }
0xb0: {  	[dreg:$0x4] =	wrdreg $0x9  }
0xb1: {  	_ =	task.clear_ibuf [dreg:s7], $0x5FFFF;
	_ =	strace $0x90000046  }
0xb2: {  	s29 =	simm.s32 $0x9;
	_ =	strace $0x80000048  }
0xb3: {  	_ =	swait.ge [sflag:s29], $0x1  }
0xb4: {  	[sflag:s29] =	ssyncadd.s32 $0xFFFFFFFF  }
0xb5: {  	_ =	strace $0x90000048  }
0xb6: {  	_ =	sfence  }
0xb7: {  	s30 =	sld [smem:$0x0];
	_ =	sdelay $0x2  }
0xb8: {  	s31 =	sshll.u32 s1, $0xD;
	s1 =	sshrl.u32 s1, $0x2  }
0xb9: {  	s3 =	sand.u32 $0x4000, s31;
	s1 =	sadd.s32 s1, s30  }
0xba: {  	s0 =	sor.u32 s3, s0;
	s1 =	sshll.u32 s1, $0x11  }
0xbb: {  	s0 =	sor.u32 s1, s0  }
0xbc: {  	s0 =	sadd.s32 $0x8F2B, s0  }
0xbd: {  	[sflag:s0] =	ssyncadd.remote.s32 $0x1  }
0xbe: {  	_ =	sfence.sel $0xFFFF  }
0xbf: {  	[dreg:$0x0] =	wrdreg $0xFFFFFFFF;
	(pc) =	sbr.abs _section_cstart, $3  }
0xc0: {  	[dreg:$0x1] =	wrdreg $0xFFFFFFFF  }
0xc1: {  	_ =	task.clear_ibuf [dreg:s7], $0x2FFFF;
	_ =	strace $0x9FFFFFFF  }
0xc2: {  	(tm) =	ssettm $0x7FFFFFFF  }
0xc3: {  	_ =	shalt  }
tec
execute0_lowered:
.L_overlay_start_1:
0x0: {  	(tag) =	ssettag $0x1  }
0x1: {  	v0 =	vlaneseq.u32  }
0x2: {  	v0 =	vmul.u32 $0x88, v0  }
0x3: {  	s0 =	rddreg [dreg:$0x0];
	s1 =	srdreg.scid;
	v1 =	vimm.s32 $0x0;
	vm0 =	vcmask $0x300  }
0x4: {  	s3 =	stileid.u32;
	s2 =	rddreg [dreg:$0x1];
	v1 =	vsel vm0, $0x3, v1;
	v2 =	vadd.s32 $0x880, v0  }
0x5: {  	s15 =	simm.s32 $0x10;
	s16 =	simm.s32 $0x80;
	s22 =	simm.s32 $0x16D00;
	v3 =	vadd.s32 $0x1100, v0;
	v4 =	vadd.s32 $0x1980, v0;
	v5 =	vor.u32 $0x1, v0  }
0x6: {  	s23 =	simm.s32 $0x600;
	s24 =	simm.s32 $0x18D00;
	s25 =	simm.s32 $0xE;
	v6 =	vadd.s32 $0x881, v0;
	v7 =	vadd.s32 $0x1101, v0;
	v8 =	vadd.s32 $0x1981, v0  }
0x7: {  	s26 =	simm.s32 $0xF;
	s28 =	simm.s32 $0x0;
	s1 =	sand.u32 $0x1, s1;
	v9 =	vor.u32 $0x2, v0;
	v10 =	vadd.s32 $0x882, v0;
	v11 =	vadd.s32 $0x1102, v0  }
0x8: {  	s4 =	sshll.u32 s3, $0x1;
	s3 =	simm.s32 $0x0;
	s8 =	sadd.s32 $0x2000, s2;
	v12 =	vadd.s32 $0x1982, v0;
	v13 =	vor.u32 $0x3, v0;
	v14 =	vadd.s32 $0x883, v0  }
0x9: {  	s9 =	sadd.s32 $0x3000, s2;
	s10 =	sadd.s32 $0x4000, s2;
	s11 =	sadd.s32 $0x5000, s2;
	v15 =	vadd.s32 $0x1103, v0;
	v16 =	vadd.s32 $0x1983, v0;
	v17 =	vor.u32 $0x4, v0  }
0xa: {  	s12 =	sadd.s32 $0x6000, s2;
	s13 =	sadd.s32 $0x7000, s2;
	s6 =	sor.u32 s1, s4;
	v18 =	vadd.s32 $0x884, v0;
	v19 =	vadd.s32 $0x1104, v0;
	v20 =	vadd.s32 $0x1984, v0  }
0xb: {  	[smem:$0x7FF] =	sst s3;
	s1 =	ssub.s32 $0x2, s1;
	s4 =	smul.u32 $0x1A0, s6;
	v21 =	vor.u32 $0x5, v0;
	v22 =	vadd.s32 $0x885, v0;
	v23 =	vadd.s32 $0x1105, v0  }
0xc: {  	_ =	strace $0x80000047;
	s5 =	sshrl.u32 s1, $0x1;
	s6 =	sshll.u32 s6, $0x7;
	v24 =	vadd.s32 $0x1985, v0;
	v25 =	vor.u32 $0x6, v0;
	v26 =	vadd.s32 $0x886, v0  }
0xd: {  	v27 =	vadd.s32 $0x1106, v0;
	v28 =	vadd.s32 $0x1986, v0;
	v29 =	vor.u32 $0x7, v0;
	s31 =	ssub.s32 s1, s5;
	s7 =	sadd.s32 s4, s0;
	s4 =	sadd.s32 $0x187000, s0  }
0xe: {  	v30 =	vadd.s32 $0x887, v0;
	v31 =	vadd.s32 $0x1107, v0;
	v32 =	vadd.s32 $0x1987, v0;
	s14 =	smax.u32 s31, $0x1;
	s5 =	sadd.s32 $0x600, s7;
	s7 =	sadd.s32 $0x1000, s2  }
.LBB2_1:
0xf: {  	[tilespmem:s3], [sflag:$0x10] =	stream.linear.gather [hbm4b:s5+s3], $0xD00, $0x38;
	[tilespmem:$0x1F100] =	vst v63  }
0x10: {  	_ =	swait.ge [sflag:s15], $0xD00  }
0x11: {  	[sflag:s15] =	ssyncset.done $0x0  }
0x12: {  	s0 =	simm.s32 $0xD00;
	[sflag:s15] =	ssyncadd.s32 $0xFFFFF300  }
0x13: {  	[tilespmem:s0], [sflag:$0x1] =	stream.indirect.gather [hbm4b:s4+s16], $0x40, s3, s16, $0xb8;
	[tilespmem:$0x1F100] =	vst v63  }
0x14: {  	s20 =	simm.s32 $0x2D00  }
0x15: {  	[tilespmem:s20], [sflag:$0x2] =	stream.indirect.gather [hbm4b:s4+s16], $0x40, s16, s16, $0xb8;
	[tilespmem:$0x1F100] =	vst v63  }
0x16: {  	s21 =	simm.s32 $0x100;
	s1 =	simm.s32 $0x4D00  }
0x17: {  	[tilespmem:s1], [sflag:$0x3] =	stream.indirect.gather [hbm4b:s4+s16], $0x40, s21, s16, $0xb8;
	[tilespmem:$0x1F100] =	vst v63  }
0x18: {  	s30 =	simm.s32 $0x180;
	s31 =	simm.s32 $0x6D00  }
0x19: {  	[tilespmem:s31], [sflag:$0x4] =	stream.indirect.gather [hbm4b:s4+s16], $0x40, s30, s16, $0xb8;
	[tilespmem:$0x1F100] =	vst v63  }
0x1a: {  	s17 =	simm.s32 $0x8D00;
	s1 =	simm.s32 $0x200  }
0x1b: {  	[tilespmem:s17], [sflag:$0x5] =	stream.indirect.gather [hbm4b:s4+s16], $0x40, s1, s16, $0xb8;
	[tilespmem:$0x1F100] =	vst v63  }
0x1c: {  	s18 =	simm.s32 $0x280;
	s19 =	simm.s32 $0xAD00  }
0x1d: {  	[tilespmem:s19], [sflag:$0x6] =	stream.indirect.gather [hbm4b:s4+s16], $0x40, s18, s16, $0xb8;
	[tilespmem:$0x1F100] =	vst v63  }
0x1e: {  	s20 =	simm.s32 $0x300;
	s21 =	simm.s32 $0xCD00  }
0x1f: {  	[tilespmem:s21], [sflag:$0x7] =	stream.indirect.gather [hbm4b:s4+s16], $0x40, s20, s16, $0xb8;
	[tilespmem:$0x1F100] =	vst v63  }
0x20: {  	s30 =	simm.s32 $0x380;
	s31 =	simm.s32 $0xED00  }
0x21: {  	[tilespmem:s31], [sflag:$0x8] =	stream.indirect.gather [hbm4b:s4+s16], $0x40, s30, s16, $0xb8;
	[tilespmem:$0x1F100] =	vst v63  }
0x22: {  	s17 =	simm.s32 $0x400;
	s18 =	simm.s32 $0x10D00  }
0x23: {  	[tilespmem:s18], [sflag:$0x9] =	stream.indirect.gather [hbm4b:s4+s16], $0x40, s17, s16, $0xb8;
	[tilespmem:$0x1F100] =	vst v63  }
0x24: {  	s19 =	simm.s32 $0x480;
	s20 =	simm.s32 $0x12D00  }
0x25: {  	[tilespmem:s20], [sflag:$0xA] =	stream.indirect.gather [hbm4b:s4+s16], $0x40, s19, s16, $0xb8;
	[tilespmem:$0x1F100] =	vst v63  }
0x26: {  	s21 =	simm.s32 $0x500;
	s30 =	simm.s32 $0x14D00  }
0x27: {  	[tilespmem:s30], [sflag:$0xB] =	stream.indirect.gather [hbm4b:s4+s16], $0x40, s21, s16, $0xb8;
	[tilespmem:$0x1F100] =	vst v63  }
0x28: {  	s31 =	simm.s32 $0x580  }
0x29: {  	[tilespmem:s22], [sflag:$0xC] =	stream.indirect.gather [hbm4b:s4+s16], $0x40, s31, s16, $0xb8;
	[tilespmem:$0x1F100] =	vst v63  }
0x2a: {  	s29 =	simm.s32 $0x0  }
0x2b: {  	[tilespmem:s24], [sflag:$0xD] =	stream.indirect.gather [hbm4b:s4+s16], $0x40, s23, s16, $0xb8;
	[tilespmem:$0x1F100] =	vst v63  }
.LBB2_2:
0x2c: {  	s0 =	sadd.s32 $0xFFFFFFF3, s29  }
0x2d: {  	s1 =	smin.u32 s29, s0  }
0x2e: {  	s30 =	sadd.s32 $0x1, s1  }
0x2f: {  	_ =	swait.ge [sflag:s30], $0x2000  }
0x30: {  	p0 =	slt.u32 s29, $0x2;
	s0 =	sand.u32 $0x1, s29;
	[sflag:s30] =	ssyncset.done $0x0  }
0x31: {  	s17 =	sor.u32 @!p0 $0xE, s0;
	[sflag:s30] =	ssyncadd.s32 $0xFFFFE000  }
0x32: {  	_ =	swait.ge @!p0 [sflag:s17], $0x400  }
0x33: {  	[sflag:s17] =	ssyncset.done @!p0 $0x0  }
0x34: {  	[sflag:s17] =	ssyncadd.s32 @!p0 $0xFFFFFC00  }
0x35: {  	_ =	swait.ge @!p0 [sflag:s17], $0x400  }
0x36: {  	[sflag:s17] =	ssyncset.done @!p0 $0x0  }
0x37: {  	[sflag:s17] =	ssyncadd.s32 @!p0 $0xFFFFFC00  }
0x38: {  	_ =	swait.ge @!p0 [sflag:s17], $0x400  }
0x39: {  	[sflag:s17] =	ssyncset.done @!p0 $0x0  }
0x3a: {  	[sflag:s17] =	ssyncadd.s32 @!p0 $0xFFFFFC00  }
0x3b: {  	_ =	swait.ge @!p0 [sflag:s17], $0x400  }
0x3c: {  	[sflag:s17] =	ssyncset.done @!p0 $0x0  }
0x3d: {  	[sflag:s17] =	ssyncadd.s32 @!p0 $0xFFFFFC00  }
0x3e: {  	_ =	swait.ge @!p0 [sflag:s17], $0x400  }
0x3f: {  	[sflag:s17] =	ssyncset.done @!p0 $0x0  }
0x40: {  	[sflag:s17] =	ssyncadd.s32 @!p0 $0xFFFFFC00  }
0x41: {  	s18 =	simm.s32 $0x0;
	s21 =	simm.s32 $0x1;
	_ =	swait.ge @!p0 [sflag:s17], $0x400  }
0x42: {  	s19 =	simm.s32 $0x2;
	s20 =	simm.s32 $0x3;
	[sflag:s17] =	ssyncset.done @!p0 $0x0  }
0x43: {  	v36 =	vmov s18;
	v33 =	vmov s21;
	v34 =	vmov s19;
	s21 =	simm.s32 $0x4;
	s19 =	simm.s32 $0x5;
	[sflag:s17] =	ssyncadd.s32 @!p0 $0xFFFFFC00  }
0x44: {  	v35 =	vmov s20;
	s20 =	simm.s32 $0x7;
	v37 =	vmov s21;
	v38 =	vmov s19;
	_ =	swait.ge @!p0 [sflag:s17], $0x400  }
0x45: {  	v39 =	vmov s20;
	v33 =	vshrl.u32 v33, $0x3;
	v34 =	vshrl.u32 v34, $0x3;
	[sflag:s17] =	ssyncset.done @!p0 $0x0  }
0x46: {  	s21 =	simm.s32 $0x6;
	v35 =	vshrl.u32 v35, $0x3;
	v36 =	vshrl.u32 v36, $0x3;
	v39 =	vshrl.u32 v39, $0x3;
	[sflag:s17] =	ssyncadd.s32 @!p0 $0xFFFFFC00  }
0x47: {  	s1 =	sshll.u32 s1, $0xD;
	v40 =	vmov s21;
	v37 =	vshrl.u32 v37, $0x3;
	v39 =	vshll.u32 v39, v1;
	_ =	swait.ge @!p0 [sflag:s17], $0x400  }
0x48: {  	s1 =	sand.u32 $0x3FFFE000, s1;
	v33 =	vshll.u32 v33, v1;
	v38 =	vshrl.u32 v38, $0x3;
	v39 =	vbroadcast v39, $0x0;
	[sflag:s17] =	ssyncset.done @!p0 $0x0  }
0x49: {  	v57 =	vshll.u32 v34, v1;
	v58 =	vshll.u32 v35, v1;
	s18 =	sor.u32 $0xE00, s1;
	v48 =	vbroadcast v33, $0x0;
	[sflag:s17] =	ssyncadd.s32 @!p0 $0xFFFFFC00  }
0x4a: {  	v36 =	vshll.u32 v36, v1;
	v55 =	vbroadcast v57, $0x0;
	v42 =	vadd.s32 v29, v39;
	v41 =	vld [tilespmem:s18+$0xC0]  }
0x4b: {  	s20 =	smul.u32 $0x8800, s0;
	v35 =	vbroadcast v58, $0x0;
	v59 =	vshll.u32 v37, v1;
	v44 =	vadd.s32 v5, v48;
	v43 =	vld [tilespmem:s18+$0xFFFFFF40]  }
0x4c: {  	v60 =	vshll.u32 v38, v1;
	v34 =	vbroadcast v59, $0x0;
	v46 =	vadd.s32 v9, v55;
	v45 =	vld [tilespmem:s18+$0xFFFFFF80]  }
0x4d: {  	s31 =	sshrl.u32 s20, $0x2;
	v62 =	vshrl.u32 v40, $0x3;
	v33 =	vbroadcast v60, $0x0;
	v47 =	vadd.s32 v13, v35;
	v61 =	vld [tilespmem:s18+$0xFFFFFFC0]  }
0x4e: {  	v36 =	vbroadcast v36, $0x0;
	v37 =	vshll.u32 v62, v1;
	v49 =	vadd.s32 v17, v34;
	s17 =	sadd.s32 $0x1AD00, s31;
	v63 =	vld [tilespmem:s18+$0x0]  }
0x4f: {  	v37 =	vbroadcast v37, $0x0;
	v51 =	vadd.s32 v21, v33;
	v50 =	vld [tilespmem:s18+$0x40];
	[tilespmem:v42+s17+$0x0] =	vst.idx.msk $0xffff, v41  }
0x50: {  	v57 =	vadd.s32 v0, v36;
	v56 =	vld [tilespmem:s18+$0xFFFFFF00];
	[tilespmem:v44+s17+$0x0] =	vst.idx.msk $0xffff, v43  }
0x51: {  	v54 =	vadd.s32 v25, v37;
	[tilespmem:v46+s17+$0x0] =	vst.idx.msk $0xffff, v45;
	v43 =	vld [tilespmem:s18+$0x80]  }
0x52: {  	v59 =	vadd.s32 v6, v48;
	[tilespmem:v47+s17+$0x0] =	vst.idx.msk $0xffff, v61;
	v58 =	vld [tilespmem:s18+$0xFFFFFF50]  }
0x53: {  	v42 =	vadd.s32 v30, v39;
	[tilespmem:v49+s17+$0x0] =	vst.idx.msk $0xffff, v63;
	v41 =	vld [tilespmem:s18+$0xD0]  }
0x54: {  	v61 =	vadd.s32 v10, v55;
	[tilespmem:v51+s17+$0x0] =	vst.idx.msk $0xffff, v50;
	v60 =	vld [tilespmem:s18+$0xFFFFFF90]  }
0x55: {  	v63 =	vadd.s32 v14, v35;
	[tilespmem:v57+s17+$0x0] =	vst.idx.msk $0xffff, v56;
	v62 =	vld [tilespmem:s18+$0xFFFFFFD0]  }
0x56: {  	v57 =	vadd.s32 v18, v34;
	v56 =	vld [tilespmem:s18+$0x10];
	[tilespmem:v54+s17+$0x0] =	vst.idx.msk $0xffff, v43  }
0x57: {  	[tilespmem:v59+s17+$0x0] =	vst.idx.msk $0xffff, v58;
	v58 =	vld [tilespmem:s18+$0x50];
	v59 =	vadd.s32 v22, v33  }
0x58: {  	v46 =	vadd.s32 v26, v37;
	[tilespmem:v42+s17+$0x0] =	vst.idx.msk $0xffff, v41;
	v40 =	vld [tilespmem:s18+$0x90]  }
0x59: {  	v54 =	vadd.s32 v31, v39;
	[tilespmem:v61+s17+$0x0] =	vst.idx.msk $0xffff, v60;
	v41 =	vld [tilespmem:s18+$0xE0]  }
0x5a: {  	v60 =	vld [tilespmem:s18+$0xFFFFFF10];
	v61 =	vadd.s32 v2, v36;
	[tilespmem:v63+s17+$0x0] =	vst.idx.msk $0xffff, v62  }
0x5b: {  	v63 =	vadd.s32 v7, v48;
	[tilespmem:v57+s17+$0x0] =	vst.idx.msk $0xffff, v56;
	v62 =	vld [tilespmem:s18+$0xFFFFFF60]  }
0x5c: {  	v53 =	vadd.s32 v11, v55;
	v52 =	vld [tilespmem:s18+$0xFFFFFFA0];
	[tilespmem:v59+s17+$0x0] =	vst.idx.msk $0xffff, v58  }
0x5d: {  	v57 =	vadd.s32 v15, v35;
	v56 =	vld [tilespmem:s18+$0xFFFFFFE0];
	[tilespmem:v46+s17+$0x0] =	vst.idx.msk $0xffff, v40  }
0x5e: {  	v58 =	vld [tilespmem:s18+$0x20];
	v59 =	vadd.s32 v19, v34;
	[tilespmem:v54+s17+$0x0] =	vst.idx.msk $0xffff, v41  }
0x5f: {  	s21 =	simm.s32 $0x8;
	v39 =	vadd.s32 v32, v39;
	[tilespmem:v61+s17+$0x0] =	vst.idx.msk $0xffff, v60;
	v41 =	vld [tilespmem:s18+$0xF0]  }
0x60: {  	v38 =	vmov s21;
	s20 =	simm.s32 $0x9;
	v43 =	vadd.s32 v23, v33;
	[tilespmem:v63+s17+$0x0] =	vst.idx.msk $0xffff, v62;
	v42 =	vld [tilespmem:s18+$0x60]  }
0x61: {  	s21 =	simm.s32 $0xA;
	v49 =	vmov s20;
	s20 =	simm.s32 $0xB;
	v45 =	vadd.s32 v27, v37;
	v50 =	vadd.s32 v3, v36;
	v44 =	vld [tilespmem:s18+$0xA0];
	[tilespmem:v53+s17+$0x0] =	vst.idx.msk $0xffff, v52  }
0x62: {  	v60 =	vmov s21;
	s21 =	simm.s32 $0xC;
	v40 =	vadd.s32 v8, v48;
	v54 =	vmov s20;
	v46 =	vld [tilespmem:s18+$0xFFFFFF20];
	[tilespmem:v57+s17+$0x0] =	vst.idx.msk $0xffff, v56  }
0x63: {  	v51 =	vmov s21;
	s20 =	simm.s32 $0xD;
	s21 =	simm.s32 $0xE;
	v53 =	vshrl.u32 v49, $0x3;
	v48 =	vshrl.u32 v60, $0x3;
	v47 =	vld [tilespmem:s18+$0xFFFFFF70];
	[tilespmem:v59+s17+$0x0] =	vst.idx.msk $0xffff, v58  }
0x64: {  	s19 =	simm.s32 $0x10;
	s1 =	sor.u32 $0xD00, s1;
	v52 =	vmov s20;
	s20 =	simm.s32 $0xF;
	v49 =	vld [tilespmem:s18+$0xFFFFFFB0];
	[tilespmem:v39+s17+$0x0] =	vst.idx.msk $0xffff, v41;
	v41 =	vmov s21;
	v39 =	vadd.s32 v12, v55  }
.LBB2_3:
0x65: {  	p0 =	slt.u32 s19, $0x78;
	v54 =	vshrl.u32 v54, $0x3;
	v55 =	vmov s20;
	v56 =	vld [tilespmem:s18+$0xFFFFFFF0];
	v35 =	vadd.s32 v16, v35;
	[tilespmem:v43+s17+$0x0] =	vst.idx.msk $0xffff, v42  }
0x66: {  	v42 =	vshrl.u32 v51, $0x3;
	v34 =	vadd.s32 v20, v34;
	v43 =	vshrl.u32 v55, $0x3;
	v51 =	vld [tilespmem:s18+$0x30];
	[tilespmem:v45+s17+$0x0] =	vst.idx.msk $0xffff, v44  }
0x67: {  	v33 =	vadd.s32 v24, v33;
	v44 =	vshrl.u32 v52, $0x3;
	v43 =	vshll.u32 v43, v1;
	[tilespmem:v50+s17+$0x0] =	vst.idx.msk $0xffff, v46;
	v45 =	vld [tilespmem:s18+$0x70]  }
0x68: {  	v37 =	vadd.s32 v28, v37;
	v46 =	vshll.u32 v53, v1;
	v43 =	vbroadcast v43, $0x0;
	[tilespmem:v40+s17+$0x0] =	vst.idx.msk $0xffff, v47;
	v47 =	vld [tilespmem:s18+$0xB0]  }
0x69: {  	v36 =	vadd.s32 v4, v36;
	v40 =	vbroadcast v46, $0x0;
	v46 =	vshll.u32 v48, v1;
	v48 =	vld [tilespmem:s18+$0xFFFFFF30];
	[tilespmem:v39+s17+$0x0] =	vst.idx.msk $0xffff, v49;
	s18 =	sadd.s32 $0x200, s18  }
0x6a: {  	v39 =	vbroadcast v46, $0x0;
	v46 =	vshll.u32 v54, v1;
	v49 =	vld [tilespmem:s18+$0xC0];
	v50 =	vadd.s32 v29, v43;
	[tilespmem:v35+s17+$0x0] =	vst.idx.msk $0xffff, v56  }
0x6b: {  	v42 =	vshll.u32 v42, v1;
	v53 =	vadd.s32 v5, v40;
	v35 =	vbroadcast v46, $0x0;
	v52 =	vld [tilespmem:s18+$0xFFFFFF40];
	[tilespmem:v34+s17+$0x0] =	vst.idx.msk $0xffff, v51  }
0x6c: {  	v51 =	vadd.s32 v9, v39;
	v34 =	vbroadcast v42, $0x0;
	v42 =	vshll.u32 v44, v1;
	v46 =	vld [tilespmem:s18+$0xFFFFFF80];
	[tilespmem:v33+s17+$0x0] =	vst.idx.msk $0xffff, v45  }
0x6d: {  	v41 =	vshrl.u32 v41, $0x3;
	v45 =	vadd.s32 v13, v35;
	v33 =	vbroadcast v42, $0x0;
	v44 =	vld [tilespmem:s18+$0xFFFFFFC0];
	[tilespmem:v37+s17+$0x0] =	vst.idx.msk $0xffff, v47  }
0x6e: {  	v41 =	vshll.u32 v41, v1;
	v37 =	vshrl.u32 v38, $0x3;
	v42 =	vadd.s32 v17, v34;
	v38 =	vld [tilespmem:s18+$0x0];
	[tilespmem:v36+s17+$0x0] =	vst.idx.msk $0xffff, v48  }
0x6f: {  	v36 =	vshll.u32 v37, v1;
	v48 =	vadd.s32 v21, v33;
	v37 =	vbroadcast v41, $0x0;
	v47 =	vld [tilespmem:s18+$0x40];
	[tilespmem:v50+s17+$0x0] =	vst.idx.msk $0xffff, v49  }
0x70: {  	v36 =	vbroadcast v36, $0x0;
	v49 =	vadd.s32 v30, v43;
	[tilespmem:v53+s17+$0x0] =	vst.idx.msk $0xffff, v52;
	v41 =	vld [tilespmem:s18+$0xD0]  }
0x71: {  	v50 =	vadd.s32 v25, v37;
	[tilespmem:v51+s17+$0x0] =	vst.idx.msk $0xffff, v46;
	v46 =	vld [tilespmem:s18+$0x80]  }
0x72: {  	v52 =	vadd.s32 v0, v36;
	v51 =	vld [tilespmem:s18+$0xFFFFFF00];
	[tilespmem:v45+s17+$0x0] =	vst.idx.msk $0xffff, v44  }
0x73: {  	v45 =	vadd.s32 v6, v40;
	v44 =	vld [tilespmem:s18+$0xFFFFFF50];
	[tilespmem:v42+s17+$0x0] =	vst.idx.msk $0xffff, v38  }
0x74: {  	v42 =	vadd.s32 v10, v39;
	v38 =	vld [tilespmem:s18+$0xFFFFFF90];
	[tilespmem:v48+s17+$0x0] =	vst.idx.msk $0xffff, v47  }
0x75: {  	v48 =	vadd.s32 v14, v35;
	v47 =	vld [tilespmem:s18+$0xFFFFFFD0];
	[tilespmem:v49+s17+$0x0] =	vst.idx.msk $0xffff, v41  }
0x76: {  	[tilespmem:v50+s17+$0x0] =	vst.idx.msk $0xffff, v46;
	v41 =	vld [tilespmem:s18+$0xE0];
	v46 =	vadd.s32 v31, v43  }
0x77: {  	v50 =	vadd.s32 v18, v34;
	[tilespmem:v52+s17+$0x0] =	vst.idx.msk $0xffff, v51;
	v49 =	vld [tilespmem:s18+$0x10]  }
0x78: {  	[tilespmem:v45+s17+$0x0] =	vst.idx.msk $0xffff, v44;
	v44 =	vld [tilespmem:s18+$0x50];
	v45 =	vadd.s32 v22, v33  }
0x79: {  	[tilespmem:v42+s17+$0x0] =	vst.idx.msk $0xffff, v38;
	v38 =	vld [tilespmem:s18+$0x90];
	v42 =	vadd.s32 v26, v37  }
0x7a: {  	v52 =	vadd.s32 v2, v36;
	v51 =	vld [tilespmem:s18+$0xFFFFFF10];
	[tilespmem:v48+s17+$0x0] =	vst.idx.msk $0xffff, v47  }
0x7b: {  	v48 =	vadd.s32 v7, v40;
	v47 =	vld [tilespmem:s18+$0xFFFFFF60];
	[tilespmem:v46+s17+$0x0] =	vst.idx.msk $0xffff, v41  }
0x7c: {  	v46 =	vadd.s32 v32, v43;
	[tilespmem:v50+s17+$0x0] =	vst.idx.msk $0xffff, v49;
	v41 =	vld [tilespmem:s18+$0xF0]  }
0x7d: {  	v53 =	vadd.s32 v11, v39;
	v49 =	vld [tilespmem:s18+$0xFFFFFFA0];
	[tilespmem:v45+s17+$0x0] =	vst.idx.msk $0xffff, v44  }
0x7e: {  	v56 =	vadd.s32 v15, v35;
	v55 =	vld [tilespmem:s18+$0xFFFFFFE0];
	[tilespmem:v42+s17+$0x0] =	vst.idx.msk $0xffff, v38  }
0x7f: {  	v58 =	vadd.s32 v19, v34;
	[tilespmem:v52+s17+$0x0] =	vst.idx.msk $0xffff, v51;
	v57 =	vld [tilespmem:s18+$0x20]  }
.Ltmp0:
0x80: {  	s20 =	sadd.s32 $0x1, s19;
	s21 =	sadd.s32 $0x2, s19;
	v43 =	vadd.s32 v23, v33;
	v38 =	vmov s19;
	[tilespmem:v48+s17+$0x0] =	vst.idx.msk $0xffff, v47;
	v42 =	vld [tilespmem:s18+$0x60];
	(pc) =	sbr.rel @p0 .LBB2_3-.Ltmp0, $4  }
0x81: {  	v59 =	vmov s21;
	s21 =	sadd.s32 $0x4, s19;
	v45 =	vadd.s32 v27, v37;
	v48 =	vmov s20;
	s20 =	sadd.s32 $0x3, s19;
	v44 =	vld [tilespmem:s18+$0xA0];
	[tilespmem:v46+s17+$0x0] =	vst.idx.msk $0xffff, v41  }
0x82: {  	v50 =	vadd.s32 v3, v36;
	v51 =	vmov s21;
	s21 =	sadd.s32 $0x6, s19;
	v54 =	vmov s20;
	s20 =	sadd.s32 $0x5, s19;
	v46 =	vld [tilespmem:s18+$0xFFFFFF20];
	[tilespmem:v53+s17+$0x0] =	vst.idx.msk $0xffff, v49  }
0x83: {  	v40 =	vadd.s32 v8, v40;
	v41 =	vmov s21;
	v52 =	vmov s20;
	v47 =	vld [tilespmem:s18+$0xFFFFFF70];
	[tilespmem:v56+s17+$0x0] =	vst.idx.msk $0xffff, v55  }
0x84: {  	v39 =	vadd.s32 v12, v39;
	v53 =	vshrl.u32 v48, $0x3;
	v48 =	vshrl.u32 v59, $0x3;
	s20 =	sadd.s32 $0x7, s19;
	s19 =	sadd.s32 $0x8, s19;
	v49 =	vld [tilespmem:s18+$0xFFFFFFB0];
	[tilespmem:v58+s17+$0x0] =	vst.idx.msk $0xffff, v57  }
0x85: {  	_ =	sdelay $0x2  }
0x86: {  	v54 =	vshrl.u32 v54, $0x3  }
0x87: {  	v55 =	vmov s20;
	v56 =	vld [tilespmem:s18+$0xFFFFFFF0];
	v35 =	vadd.s32 v16, v35;
	[tilespmem:v43+s17+$0x0] =	vst.idx.msk $0xffff, v42;
	v34 =	vadd.s32 v20, v34  }
0x88: {  	v58 =	vld [tilespmem:s18+$0x30];
	v33 =	vadd.s32 v24, v33;
	v59 =	vshll.u32 v53, v1;
	v57 =	vshrl.u32 v55, $0x3;
	[tilespmem:v45+s17+$0x0] =	vst.idx.msk $0xffff, v44  }
0x89: {  	v42 =	vshrl.u32 v51, $0x3;
	v37 =	vadd.s32 v28, v37;
	v45 =	vld [tilespmem:s18+$0x70];
	v43 =	vshll.u32 v57, v1;
	[tilespmem:v50+s17+$0x0] =	vst.idx.msk $0xffff, v46  }
0x8a: {  	v61 =	vshll.u32 v48, v1;
	v36 =	vadd.s32 v4, v36;
	v60 =	vld [tilespmem:s18+$0xB0];
	v43 =	vbroadcast v43, $0x0;
	[tilespmem:v40+s17+$0x0] =	vst.idx.msk $0xffff, v47  }
0x8b: {  	s21 =	sadd.s32 $0x200, s18;
	v41 =	vshrl.u32 v41, $0x3;
	v44 =	vshrl.u32 v52, $0x3;
	v46 =	vbroadcast v59, $0x0;
	v62 =	vld [tilespmem:s18+$0xFFFFFF30];
	[tilespmem:v39+s17+$0x0] =	vst.idx.msk $0xffff, v49  }
0x8c: {  	v63 =	vshll.u32 v54, v1;
	v39 =	vbroadcast v61, $0x0;
	v49 =	vld [tilespmem:s21+$0xC0];
	v50 =	vadd.s32 v29, v43;
	[tilespmem:v35+s17+$0x0] =	vst.idx.msk $0xffff, v56  }
0x8d: {  	v42 =	vshll.u32 v42, v1;
	v47 =	vbroadcast v63, $0x0;
	v35 =	vld [tilespmem:s21+$0xFFFFFF40];
	v56 =	vadd.s32 v5, v46;
	[tilespmem:v34+s17+$0x0] =	vst.idx.msk $0xffff, v58  }
0x8e: {  	v57 =	vld [tilespmem:s21+$0xFFFFFF80];
	v42 =	vbroadcast v42, $0x0;
	v44 =	vshll.u32 v44, v1;
	v58 =	vadd.s32 v9, v39;
	[tilespmem:v33+s17+$0x0] =	vst.idx.msk $0xffff, v45  }
0x8f: {  	v41 =	vshll.u32 v41, v1;
	v44 =	vbroadcast v44, $0x0;
	v59 =	vadd.s32 v13, v47;
	v33 =	vld [tilespmem:s21+$0xFFFFFFC0];
	[tilespmem:v37+s17+$0x0] =	vst.idx.msk $0xffff, v60  }
0x90: {  	v41 =	vbroadcast v41, $0x0;
	v61 =	vadd.s32 v17, v42;
	v60 =	vshrl.u32 v38, $0x3;
	v38 =	vld [tilespmem:s21+$0x0];
	[tilespmem:v36+s17+$0x0] =	vst.idx.msk $0xffff, v62  }
0x91: {  	v63 =	vadd.s32 v21, v44;
	v37 =	vld [tilespmem:s21+$0x40];
	v62 =	vshll.u32 v60, v1;
	[tilespmem:v50+s17+$0x0] =	vst.idx.msk $0xffff, v49  }
0x92: {  	v34 =	vld [tilespmem:s21+$0x80];
	v36 =	vbroadcast v62, $0x0;
	[tilespmem:v56+s17+$0x0] =	vst.idx.msk $0xffff, v35;
	v56 =	vadd.s32 v25, v41  }
0x93: {  	v49 =	vadd.s32 v30, v43;
	v35 =	vld [tilespmem:s21+$0xD0];
	[tilespmem:v58+s17+$0x0] =	vst.idx.msk $0xffff, v57  }
0x94: {  	v57 =	vld [tilespmem:s21+$0xFFFFFF00];
	v58 =	vadd.s32 v0, v36;
	[tilespmem:v59+s17+$0x0] =	vst.idx.msk $0xffff, v33  }
0x95: {  	v60 =	vadd.s32 v6, v46;
	v59 =	vld [tilespmem:s21+$0xFFFFFF50];
	[tilespmem:v61+s17+$0x0] =	vst.idx.msk $0xffff, v38  }
0x96: {  	[tilespmem:v63+s17+$0x0] =	vst.idx.msk $0xffff, v37  }
0x97: {  	v62 =	vadd.s32 v10, v39;
	v61 =	vld [tilespmem:s21+$0xFFFFFF90];
	[tilespmem:v56+s17+$0x0] =	vst.idx.msk $0xffff, v34  }
0x98: {  	v37 =	vld [tilespmem:s21+$0xFFFFFFD0];
	v63 =	vadd.s32 v14, v47;
	[tilespmem:v49+s17+$0x0] =	vst.idx.msk $0xffff, v35  }
0x99: {  	v56 =	vld [tilespmem:s21+$0x10];
	[tilespmem:v58+s17+$0x0] =	vst.idx.msk $0xffff, v57;
	v57 =	vadd.s32 v18, v42  }
0x9a: {  	[tilespmem:v60+s17+$0x0] =	vst.idx.msk $0xffff, v59;
	v58 =	vld [tilespmem:s21+$0x50];
	v59 =	vadd.s32 v22, v44  }
0x9b: {  	v35 =	vadd.s32 v31, v43;
	v34 =	vld [tilespmem:s21+$0xE0]  }
0x9c: {  	v60 =	vld [tilespmem:s21+$0x90];
	[tilespmem:v62+s17+$0x0] =	vst.idx.msk $0xffff, v61;
	v61 =	vadd.s32 v26, v41  }
0x9d: {  	v51 =	vld [tilespmem:s21+$0xFFFFFF10];
	v62 =	vadd.s32 v2, v36;
	[tilespmem:v63+s17+$0x0] =	vst.idx.msk $0xffff, v37  }
0x9e: {  	v53 =	vadd.s32 v7, v46;
	v63 =	vld [tilespmem:s21+$0xFFFFFF60];
	[tilespmem:v57+s17+$0x0] =	vst.idx.msk $0xffff, v56  }
0x9f: {  	v54 =	vadd.s32 v32, v43;
	v55 =	vadd.s32 v11, v39;
	v43 =	vld [tilespmem:s21+$0xFFFFFFA0];
	[tilespmem:v59+s17+$0x0] =	vst.idx.msk $0xffff, v58  }
0xa0: {  	v56 =	vld [tilespmem:s21+$0xFFFFFFE0];
	v57 =	vadd.s32 v15, v47;
	[tilespmem:v35+s17+$0x0] =	vst.idx.msk $0xffff, v34  }
0xa1: {  	[tilespmem:v61+s17+$0x0] =	vst.idx.msk $0xffff, v60;
	v34 =	vld [tilespmem:s21+$0xF0]  }
0xa2: {  	v59 =	vadd.s32 v19, v42;
	[tilespmem:v62+s17+$0x0] =	vst.idx.msk $0xffff, v51;
	v58 =	vld [tilespmem:s21+$0x20]  }
0xa3: {  	[tilespmem:v53+s17+$0x0] =	vst.idx.msk $0xffff, v63;
	v60 =	vld [tilespmem:s21+$0x60];
	v61 =	vadd.s32 v23, v44  }
0xa4: {  	v63 =	vadd.s32 v27, v41;
	v62 =	vld [tilespmem:s21+$0xA0];
	[tilespmem:v55+s17+$0x0] =	vst.idx.msk $0xffff, v43  }
0xa5: {  	v46 =	vadd.s32 v8, v46;
	v55 =	vld [tilespmem:s21+$0xFFFFFF70];
	[tilespmem:v57+s17+$0x0] =	vst.idx.msk $0xffff, v56  }
0xa6: {  	v53 =	vld [tilespmem:s21+$0xFFFFFF20];
	[tilespmem:v54+s17+$0x0] =	vst.idx.msk $0xffff, v34;
	v54 =	vadd.s32 v3, v36  }
0xa7: {  	v39 =	vadd.s32 v12, v39;
	v56 =	vld [tilespmem:s21+$0xFFFFFFB0];
	[tilespmem:v59+s17+$0x0] =	vst.idx.msk $0xffff, v58  }
0xa8: {  	v57 =	vld [tilespmem:s21+$0xFFFFFFF0];
	v58 =	vadd.s32 v16, v47;
	[tilespmem:v61+s17+$0x0] =	vst.idx.msk $0xffff, v60  }
0xa9: {  	v42 =	vadd.s32 v20, v42;
	v59 =	vld [tilespmem:s21+$0x30];
	[tilespmem:v63+s17+$0x0] =	vst.idx.msk $0xffff, v62  }
0xaa: {  	v61 =	vadd.s32 v24, v44;
	v60 =	vld [tilespmem:s21+$0x70];
	[tilespmem:v46+s17+$0x0] =	vst.idx.msk $0xffff, v55  }
0xab: {  	v41 =	vadd.s32 v28, v41;
	v62 =	vld [tilespmem:s21+$0xB0];
	[tilespmem:v54+s17+$0x0] =	vst.idx.msk $0xffff, v53  }
0xac: {  	v36 =	vadd.s32 v4, v36;
	[tilespmem:v39+s17+$0x0] =	vst.idx.msk $0xffff, v56;
	v63 =	vld [tilespmem:s21+$0xFFFFFF30]  }
0xad: {  	[tilespmem:v58+s17+$0x0] =	vst.idx.msk $0xffff, v57  }
0xae: {  	[tilespmem:v42+s17+$0x0] =	vst.idx.msk $0xffff, v59  }
0xaf: {  	s19 =	sshll.u32 s29, $0xF;
	[tilespmem:v61+s17+$0x0] =	vst.idx.msk $0xffff, v60  }
0xb0: {  	s18 =	sor.u32 s6, s19;
	[tilespmem:v41+s17+$0x0] =	vst.idx.msk $0xffff, v62  }
0xb1: {  	s0 =	sor.u32 $0xE, s0;
	s19 =	sadd.s32 s2, s18;
	[tilespmem:v36+s17+$0x0] =	vst.idx.msk $0xffff, v63  }
0xb2: {  	[hbm4b:s19+s3] =	stream.linear.scatter [tilespmem:s17], [sflag:s0], $0x80, $0x38;
	[tilespmem:$0x1F100] =	vst v63  }
0xb3: {  	s20 =	sadd.s32 $0x1AD88, s31;
	s21 =	sadd.s32 $0x10, s19  }
0xb4: {  	[hbm4b:s21+s3] =	stream.linear.scatter [tilespmem:s20], [sflag:s0], $0x80, $0x38;
	[tilespmem:$0x1F100] =	vst v63  }
0xb5: {  	s20 =	sadd.s32 $0x1AE10, s31;
	s21 =	sadd.s32 $0x20, s19  }
0xb6: {  	[hbm4b:s21+s3] =	stream.linear.scatter [tilespmem:s20], [sflag:s0], $0x80, $0x38;
	[tilespmem:$0x1F100] =	vst v63  }
0xb7: {  	s20 =	sadd.s32 $0x1AE98, s31;
	s21 =	sadd.s32 $0x30, s19  }
0xb8: {  	[hbm4b:s21+s3] =	stream.linear.scatter [tilespmem:s20], [sflag:s0], $0x80, $0x38;
	[tilespmem:$0x1F100] =	vst v63  }
0xb9: {  	s20 =	sadd.s32 $0x1AF20, s31;
	s21 =	sadd.s32 $0x40, s19  }
0xba: {  	[hbm4b:s21+s3] =	stream.linear.scatter [tilespmem:s20], [sflag:s0], $0x80, $0x38;
	[tilespmem:$0x1F100] =	vst v63  }
0xbb: {  	s20 =	sadd.s32 $0x1AFA8, s31;
	s21 =	sadd.s32 $0x50, s19  }
0xbc: {  	[hbm4b:s21+s3] =	stream.linear.scatter [tilespmem:s20], [sflag:s0], $0x80, $0x38;
	[tilespmem:$0x1F100] =	vst v63  }
0xbd: {  	s20 =	sadd.s32 $0x1B030, s31;
	s21 =	sadd.s32 $0x60, s19  }
0xbe: {  	[hbm4b:s21+s3] =	stream.linear.scatter [tilespmem:s20], [sflag:s0], $0x80, $0x38;
	[tilespmem:$0x1F100] =	vst v63  }
0xbf: {  	s19 =	sadd.s32 $0x70, s19;
	s20 =	sadd.s32 $0x1B0B8, s31  }
0xc0: {  	[hbm4b:s19+s3] =	stream.linear.scatter [tilespmem:s20], [sflag:s0], $0x80, $0x38;
	[tilespmem:$0x1F100] =	vst v63  }
0xc1: {  	s17 =	sadd.s32 s18, s7;
	s21 =	sadd.s32 $0x1B140, s31  }
0xc2: {  	[hbm4b:s17+s3] =	stream.linear.scatter [tilespmem:s21], [sflag:s0], $0x80, $0x38;
	[tilespmem:$0x1F100] =	vst v63  }
0xc3: {  	s20 =	sadd.s32 $0x1B1C8, s31;
	s21 =	sadd.s32 $0x10, s17  }
0xc4: {  	[hbm4b:s21+s3] =	stream.linear.scatter [tilespmem:s20], [sflag:s0], $0x80, $0x38;
	[tilespmem:$0x1F100] =	vst v63  }
0xc5: {  	s20 =	sadd.s32 $0x1B250, s31;
	s21 =	sadd.s32 $0x20, s17  }
0xc6: {  	[hbm4b:s21+s3] =	stream.linear.scatter [tilespmem:s20], [sflag:s0], $0x80, $0x38;
	[tilespmem:$0x1F100] =	vst v63  }
0xc7: {  	s20 =	sadd.s32 $0x1B2D8, s31;
	s21 =	sadd.s32 $0x30, s17  }
0xc8: {  	[hbm4b:s21+s3] =	stream.linear.scatter [tilespmem:s20], [sflag:s0], $0x80, $0x38;
	[tilespmem:$0x1F100] =	vst v63  }
0xc9: {  	s20 =	sadd.s32 $0x1B360, s31;
	s21 =	sadd.s32 $0x40, s17  }
0xca: {  	[hbm4b:s21+s3] =	stream.linear.scatter [tilespmem:s20], [sflag:s0], $0x80, $0x38;
	[tilespmem:$0x1F100] =	vst v63  }
0xcb: {  	s20 =	sadd.s32 $0x1B3E8, s31;
	s21 =	sadd.s32 $0x50, s17  }
0xcc: {  	[hbm4b:s21+s3] =	stream.linear.scatter [tilespmem:s20], [sflag:s0], $0x80, $0x38;
	[tilespmem:$0x1F100] =	vst v63  }
0xcd: {  	s20 =	sadd.s32 $0x1B470, s31;
	s21 =	sadd.s32 $0x60, s17  }
0xce: {  	[hbm4b:s21+s3] =	stream.linear.scatter [tilespmem:s20], [sflag:s0], $0x80, $0x38;
	[tilespmem:$0x1F100] =	vst v63  }
0xcf: {  	s17 =	sadd.s32 $0x70, s17;
	s20 =	sadd.s32 $0x1B4F8, s31  }
0xd0: {  	[hbm4b:s17+s3] =	stream.linear.scatter [tilespmem:s20], [sflag:s0], $0x80, $0x38;
	[tilespmem:$0x1F100] =	vst v63  }
0xd1: {  	s21 =	sadd.s32 $0x1B580, s31;
	s17 =	sadd.s32 s18, s8  }
0xd2: {  	[hbm4b:s17+s3] =	stream.linear.scatter [tilespmem:s21], [sflag:s0], $0x80, $0x38;
	[tilespmem:$0x1F100] =	vst v63  }
0xd3: {  	s20 =	sadd.s32 $0x1B608, s31;
	s21 =	sadd.s32 $0x10, s17  }
0xd4: {  	[hbm4b:s21+s3] =	stream.linear.scatter [tilespmem:s20], [sflag:s0], $0x80, $0x38;
	[tilespmem:$0x1F100] =	vst v63  }
0xd5: {  	s20 =	sadd.s32 $0x1B690, s31;
	s21 =	sadd.s32 $0x20, s17  }
0xd6: {  	[hbm4b:s21+s3] =	stream.linear.scatter [tilespmem:s20], [sflag:s0], $0x80, $0x38;
	[tilespmem:$0x1F100] =	vst v63  }
0xd7: {  	s20 =	sadd.s32 $0x1B718, s31;
	s21 =	sadd.s32 $0x30, s17  }
0xd8: {  	[hbm4b:s21+s3] =	stream.linear.scatter [tilespmem:s20], [sflag:s0], $0x80, $0x38;
	[tilespmem:$0x1F100] =	vst v63  }
0xd9: {  	s20 =	sadd.s32 $0x1B7A0, s31;
	s21 =	sadd.s32 $0x40, s17  }
0xda: {  	[hbm4b:s21+s3] =	stream.linear.scatter [tilespmem:s20], [sflag:s0], $0x80, $0x38;
	[tilespmem:$0x1F100] =	vst v63  }
0xdb: {  	s20 =	sadd.s32 $0x1B828, s31;
	s21 =	sadd.s32 $0x50, s17  }
0xdc: {  	[hbm4b:s21+s3] =	stream.linear.scatter [tilespmem:s20], [sflag:s0], $0x80, $0x38;
	[tilespmem:$0x1F100] =	vst v63  }
0xdd: {  	s20 =	sadd.s32 $0x1B8B0, s31;
	s21 =	sadd.s32 $0x60, s17  }
0xde: {  	[hbm4b:s21+s3] =	stream.linear.scatter [tilespmem:s20], [sflag:s0], $0x80, $0x38;
	[tilespmem:$0x1F100] =	vst v63  }
0xdf: {  	s17 =	sadd.s32 $0x70, s17;
	s20 =	sadd.s32 $0x1B938, s31  }
0xe0: {  	[hbm4b:s17+s3] =	stream.linear.scatter [tilespmem:s20], [sflag:s0], $0x80, $0x38;
	[tilespmem:$0x1F100] =	vst v63  }
0xe1: {  	s21 =	sadd.s32 $0x1B9C0, s31;
	s17 =	sadd.s32 s18, s9  }
0xe2: {  	[hbm4b:s17+s3] =	stream.linear.scatter [tilespmem:s21], [sflag:s0], $0x80, $0x38;
	[tilespmem:$0x1F100] =	vst v63  }
0xe3: {  	s20 =	sadd.s32 $0x1BA48, s31;
	s21 =	sadd.s32 $0x10, s17  }
0xe4: {  	[hbm4b:s21+s3] =	stream.linear.scatter [tilespmem:s20], [sflag:s0], $0x80, $0x38;
	[tilespmem:$0x1F100] =	vst v63  }
0xe5: {  	s20 =	sadd.s32 $0x1BAD0, s31;
	s21 =	sadd.s32 $0x20, s17  }
0xe6: {  	[hbm4b:s21+s3] =	stream.linear.scatter [tilespmem:s20], [sflag:s0], $0x80, $0x38;
	[tilespmem:$0x1F100] =	vst v63  }
0xe7: {  	s20 =	sadd.s32 $0x1BB58, s31;
	s21 =	sadd.s32 $0x30, s17  }
0xe8: {  	[hbm4b:s21+s3] =	stream.linear.scatter [tilespmem:s20], [sflag:s0], $0x80, $0x38;
	[tilespmem:$0x1F100] =	vst v63  }
0xe9: {  	s20 =	sadd.s32 $0x1BBE0, s31;
	s21 =	sadd.s32 $0x40, s17  }
0xea: {  	[hbm4b:s21+s3] =	stream.linear.scatter [tilespmem:s20], [sflag:s0], $0x80, $0x38;
	[tilespmem:$0x1F100] =	vst v63  }
0xeb: {  	s20 =	sadd.s32 $0x1BC68, s31;
	s21 =	sadd.s32 $0x50, s17  }
0xec: {  	[hbm4b:s21+s3] =	stream.linear.scatter [tilespmem:s20], [sflag:s0], $0x80, $0x38;
	[tilespmem:$0x1F100] =	vst v63  }
0xed: {  	s20 =	sadd.s32 $0x1BCF0, s31;
	s21 =	sadd.s32 $0x60, s17  }
0xee: {  	[hbm4b:s21+s3] =	stream.linear.scatter [tilespmem:s20], [sflag:s0], $0x80, $0x38;
	[tilespmem:$0x1F100] =	vst v63  }
0xef: {  	s17 =	sadd.s32 $0x70, s17;
	s20 =	sadd.s32 $0x1BD78, s31  }
0xf0: {  	[hbm4b:s17+s3] =	stream.linear.scatter [tilespmem:s20], [sflag:s0], $0x80, $0x38;
	[tilespmem:$0x1F100] =	vst v63  }
0xf1: {  	s21 =	sadd.s32 $0x1BE00, s31;
	s17 =	sadd.s32 s18, s10  }
0xf2: {  	[hbm4b:s17+s3] =	stream.linear.scatter [tilespmem:s21], [sflag:s0], $0x80, $0x38;
	[tilespmem:$0x1F100] =	vst v63  }
0xf3: {  	s20 =	sadd.s32 $0x1BE88, s31;
	s21 =	sadd.s32 $0x10, s17  }
0xf4: {  	[hbm4b:s21+s3] =	stream.linear.scatter [tilespmem:s20], [sflag:s0], $0x80, $0x38;
	[tilespmem:$0x1F100] =	vst v63  }
0xf5: {  	s20 =	sadd.s32 $0x1BF10, s31;
	s21 =	sadd.s32 $0x20, s17  }
0xf6: {  	[hbm4b:s21+s3] =	stream.linear.scatter [tilespmem:s20], [sflag:s0], $0x80, $0x38;
	[tilespmem:$0x1F100] =	vst v63  }
0xf7: {  	s20 =	sadd.s32 $0x1BF98, s31;
	s21 =	sadd.s32 $0x30, s17  }
0xf8: {  	[hbm4b:s21+s3] =	stream.linear.scatter [tilespmem:s20], [sflag:s0], $0x80, $0x38;
	[tilespmem:$0x1F100] =	vst v63  }
0xf9: {  	s20 =	sadd.s32 $0x1C020, s31;
	s21 =	sadd.s32 $0x40, s17  }
0xfa: {  	[hbm4b:s21+s3] =	stream.linear.scatter [tilespmem:s20], [sflag:s0], $0x80, $0x38;
	[tilespmem:$0x1F100] =	vst v63  }
0xfb: {  	s20 =	sadd.s32 $0x1C0A8, s31;
	s21 =	sadd.s32 $0x50, s17  }
0xfc: {  	[hbm4b:s21+s3] =	stream.linear.scatter [tilespmem:s20], [sflag:s0], $0x80, $0x38;
	[tilespmem:$0x1F100] =	vst v63  }
0xfd: {  	s20 =	sadd.s32 $0x1C130, s31;
	s21 =	sadd.s32 $0x60, s17  }
0xfe: {  	[hbm4b:s21+s3] =	stream.linear.scatter [tilespmem:s20], [sflag:s0], $0x80, $0x38;
	[tilespmem:$0x1F100] =	vst v63  }
0xff: {  	s17 =	sadd.s32 $0x70, s17;
	s20 =	sadd.s32 $0x1C1B8, s31  }
0x100: {  	[hbm4b:s17+s3] =	stream.linear.scatter [tilespmem:s20], [sflag:s0], $0x80, $0x38;
	[tilespmem:$0x1F100] =	vst v63  }
0x101: {  	s21 =	sadd.s32 $0x1C240, s31;
	s17 =	sadd.s32 s18, s11  }
0x102: {  	[hbm4b:s17+s3] =	stream.linear.scatter [tilespmem:s21], [sflag:s0], $0x80, $0x38;
	[tilespmem:$0x1F100] =	vst v63  }
0x103: {  	s20 =	sadd.s32 $0x1C2C8, s31;
	s21 =	sadd.s32 $0x10, s17  }
0x104: {  	[hbm4b:s21+s3] =	stream.linear.scatter [tilespmem:s20], [sflag:s0], $0x80, $0x38;
	[tilespmem:$0x1F100] =	vst v63  }
0x105: {  	s20 =	sadd.s32 $0x1C350, s31;
	s21 =	sadd.s32 $0x20, s17  }
0x106: {  	[hbm4b:s21+s3] =	stream.linear.scatter [tilespmem:s20], [sflag:s0], $0x80, $0x38;
	[tilespmem:$0x1F100] =	vst v63  }
0x107: {  	s20 =	sadd.s32 $0x1C3D8, s31;
	s21 =	sadd.s32 $0x30, s17  }
0x108: {  	[hbm4b:s21+s3] =	stream.linear.scatter [tilespmem:s20], [sflag:s0], $0x80, $0x38;
	[tilespmem:$0x1F100] =	vst v63  }
0x109: {  	s20 =	sadd.s32 $0x1C460, s31;
	s21 =	sadd.s32 $0x40, s17  }
0x10a: {  	[hbm4b:s21+s3] =	stream.linear.scatter [tilespmem:s20], [sflag:s0], $0x80, $0x38;
	[tilespmem:$0x1F100] =	vst v63  }
0x10b: {  	s20 =	sadd.s32 $0x1C4E8, s31;
	s21 =	sadd.s32 $0x50, s17  }
0x10c: {  	[hbm4b:s21+s3] =	stream.linear.scatter [tilespmem:s20], [sflag:s0], $0x80, $0x38;
	[tilespmem:$0x1F100] =	vst v63  }
0x10d: {  	s20 =	sadd.s32 $0x1C570, s31;
	s21 =	sadd.s32 $0x60, s17  }
0x10e: {  	[hbm4b:s21+s3] =	stream.linear.scatter [tilespmem:s20], [sflag:s0], $0x80, $0x38;
	[tilespmem:$0x1F100] =	vst v63  }
0x10f: {  	s17 =	sadd.s32 $0x70, s17;
	s20 =	sadd.s32 $0x1C5F8, s31  }
0x110: {  	[hbm4b:s17+s3] =	stream.linear.scatter [tilespmem:s20], [sflag:s0], $0x80, $0x38;
	[tilespmem:$0x1F100] =	vst v63  }
0x111: {  	s21 =	sadd.s32 $0x1C680, s31;
	s17 =	sadd.s32 s18, s12  }
0x112: {  	[hbm4b:s17+s3] =	stream.linear.scatter [tilespmem:s21], [sflag:s0], $0x80, $0x38;
	[tilespmem:$0x1F100] =	vst v63  }
0x113: {  	s20 =	sadd.s32 $0x1C708, s31;
	s21 =	sadd.s32 $0x10, s17  }
0x114: {  	[hbm4b:s21+s3] =	stream.linear.scatter [tilespmem:s20], [sflag:s0], $0x80, $0x38;
	[tilespmem:$0x1F100] =	vst v63  }
0x115: {  	s20 =	sadd.s32 $0x1C790, s31;
	s21 =	sadd.s32 $0x20, s17  }
0x116: {  	[hbm4b:s21+s3] =	stream.linear.scatter [tilespmem:s20], [sflag:s0], $0x80, $0x38;
	[tilespmem:$0x1F100] =	vst v63  }
0x117: {  	s20 =	sadd.s32 $0x1C818, s31;
	s21 =	sadd.s32 $0x30, s17  }
0x118: {  	[hbm4b:s21+s3] =	stream.linear.scatter [tilespmem:s20], [sflag:s0], $0x80, $0x38;
	[tilespmem:$0x1F100] =	vst v63  }
0x119: {  	s20 =	sadd.s32 $0x1C8A0, s31;
	s21 =	sadd.s32 $0x40, s17  }
0x11a: {  	[hbm4b:s21+s3] =	stream.linear.scatter [tilespmem:s20], [sflag:s0], $0x80, $0x38;
	[tilespmem:$0x1F100] =	vst v63  }
0x11b: {  	s20 =	sadd.s32 $0x1C928, s31;
	s21 =	sadd.s32 $0x50, s17  }
0x11c: {  	[hbm4b:s21+s3] =	stream.linear.scatter [tilespmem:s20], [sflag:s0], $0x80, $0x38;
	[tilespmem:$0x1F100] =	vst v63  }
0x11d: {  	s20 =	sadd.s32 $0x1C9B0, s31;
	s21 =	sadd.s32 $0x60, s17  }
0x11e: {  	[hbm4b:s21+s3] =	stream.linear.scatter [tilespmem:s20], [sflag:s0], $0x80, $0x38;
	[tilespmem:$0x1F100] =	vst v63  }
0x11f: {  	s17 =	sadd.s32 $0x70, s17;
	s21 =	sadd.s32 $0x1CA38, s31  }
0x120: {  	[hbm4b:s17+s3] =	stream.linear.scatter [tilespmem:s21], [sflag:s0], $0x80, $0x38;
	[tilespmem:$0x1F100] =	vst v63  }
0x121: {  	s19 =	sadd.s32 $0x1CAC0, s31;
	s17 =	sadd.s32 s18, s13  }
0x122: {  	[hbm4b:s17+s3] =	stream.linear.scatter [tilespmem:s19], [sflag:s0], $0x80, $0x38;
	[tilespmem:$0x1F100] =	vst v63  }
0x123: {  	s20 =	sadd.s32 $0x1CB48, s31;
	s21 =	sadd.s32 $0x10, s17  }
0x124: {  	[hbm4b:s21+s3] =	stream.linear.scatter [tilespmem:s20], [sflag:s0], $0x80, $0x38;
	[tilespmem:$0x1F100] =	vst v63  }
0x125: {  	s20 =	sadd.s32 $0x1CBD0, s31;
	s21 =	sadd.s32 $0x20, s17  }
0x126: {  	[hbm4b:s21+s3] =	stream.linear.scatter [tilespmem:s20], [sflag:s0], $0x80, $0x38;
	[tilespmem:$0x1F100] =	vst v63  }
0x127: {  	s20 =	sadd.s32 $0x1CC58, s31;
	s21 =	sadd.s32 $0x30, s17  }
0x128: {  	[hbm4b:s21+s3] =	stream.linear.scatter [tilespmem:s20], [sflag:s0], $0x80, $0x38;
	[tilespmem:$0x1F100] =	vst v63  }
0x129: {  	s20 =	sadd.s32 $0x1CCE0, s31;
	s21 =	sadd.s32 $0x40, s17  }
0x12a: {  	[hbm4b:s21+s3] =	stream.linear.scatter [tilespmem:s20], [sflag:s0], $0x80, $0x38;
	[tilespmem:$0x1F100] =	vst v63  }
0x12b: {  	s20 =	sadd.s32 $0x1CD68, s31;
	s21 =	sadd.s32 $0x50, s17  }
0x12c: {  	[hbm4b:s21+s3] =	stream.linear.scatter [tilespmem:s20], [sflag:s0], $0x80, $0x38;
	[tilespmem:$0x1F100] =	vst v63  }
0x12d: {  	s20 =	sadd.s32 $0x1CDF0, s31;
	s21 =	sadd.s32 $0x60, s17  }
0x12e: {  	[hbm4b:s21+s3] =	stream.linear.scatter [tilespmem:s20], [sflag:s0], $0x80, $0x38;
	[tilespmem:$0x1F100] =	vst v63  }
0x12f: {  	p0 =	sgt.u32 s29, $0xC;
	s31 =	sadd.s32 $0x1CE78, s31;
	s17 =	sadd.s32 $0x70, s17  }
0x130: {  	[hbm4b:s17+s3] =	stream.linear.scatter [tilespmem:s31], [sflag:s0], $0x80, $0x38;
	[tilespmem:$0x1F100] =	vst v63  }
0x131: {  	s0 =	sshll.u32 @!p0 s29, $0x7  }
0x132: {  	s0 =	sand.u32 @!p0 $0x3FFFFF80, s0  }
0x133: {  	s17 =	simm.s32 @!p0 $0x80;
	s29 =	sadd.s32 $0x1, s29;
	s0 =	sadd.s32 @!p0 $0x680, s0  }
0x134: {  	[tilespmem:s1], [sflag:s30] =	stream.indirect.gather @!p0 [hbm4b:s4+s17], $0x40, s0, s17, $0xb8;
	[tilespmem:$0x1F100] =	vst v63  }
0x135: {  	p0 =	sne.s32 s29, $0x1A  }
.Ltmp1:
0x136: {  	_ = 	snop;
	(pc) =	sbr.rel @p0 .LBB2_2-.Ltmp1, $1  }
0x137: {  	_ =	sdelay $0x3  }
0x138: {  	_ =	swait.ge [sflag:s25], $0x400  }
0x139: {  	[sflag:s25] =	ssyncset.done $0x0  }
0x13a: {  	[sflag:s25] =	ssyncadd.s32 $0xFFFFFC00  }
0x13b: {  	_ =	swait.ge [sflag:s25], $0x400  }
0x13c: {  	[sflag:s25] =	ssyncset.done $0x0  }
0x13d: {  	[sflag:s25] =	ssyncadd.s32 $0xFFFFFC00  }
0x13e: {  	_ =	swait.ge [sflag:s25], $0x400  }
0x13f: {  	[sflag:s25] =	ssyncset.done $0x0  }
0x140: {  	[sflag:s25] =	ssyncadd.s32 $0xFFFFFC00  }
0x141: {  	_ =	swait.ge [sflag:s25], $0x400  }
0x142: {  	[sflag:s25] =	ssyncset.done $0x0  }
0x143: {  	[sflag:s25] =	ssyncadd.s32 $0xFFFFFC00  }
0x144: {  	_ =	swait.ge [sflag:s25], $0x400  }
0x145: {  	[sflag:s25] =	ssyncset.done $0x0  }
0x146: {  	[sflag:s25] =	ssyncadd.s32 $0xFFFFFC00  }
0x147: {  	_ =	swait.ge [sflag:s25], $0x400  }
0x148: {  	[sflag:s25] =	ssyncset.done $0x0  }
0x149: {  	[sflag:s25] =	ssyncadd.s32 $0xFFFFFC00  }
0x14a: {  	_ =	swait.ge [sflag:s25], $0x400  }
0x14b: {  	[sflag:s25] =	ssyncset.done $0x0  }
0x14c: {  	[sflag:s25] =	ssyncadd.s32 $0xFFFFFC00  }
0x14d: {  	_ =	swait.ge [sflag:s25], $0x400  }
0x14e: {  	[sflag:s25] =	ssyncset.done $0x0  }
0x14f: {  	[sflag:s25] =	ssyncadd.s32 $0xFFFFFC00  }
0x150: {  	_ =	swait.ge [sflag:s26], $0x400  }
0x151: {  	[sflag:s26] =	ssyncset.done $0x0  }
0x152: {  	[sflag:s26] =	ssyncadd.s32 $0xFFFFFC00  }
0x153: {  	_ =	swait.ge [sflag:s26], $0x400  }
0x154: {  	[sflag:s26] =	ssyncset.done $0x0  }
0x155: {  	[sflag:s26] =	ssyncadd.s32 $0xFFFFFC00  }
0x156: {  	_ =	swait.ge [sflag:s26], $0x400  }
0x157: {  	[sflag:s26] =	ssyncset.done $0x0  }
0x158: {  	[sflag:s26] =	ssyncadd.s32 $0xFFFFFC00  }
0x159: {  	_ =	swait.ge [sflag:s26], $0x400  }
0x15a: {  	[sflag:s26] =	ssyncset.done $0x0  }
0x15b: {  	[sflag:s26] =	ssyncadd.s32 $0xFFFFFC00  }
0x15c: {  	_ =	swait.ge [sflag:s26], $0x400  }
0x15d: {  	[sflag:s26] =	ssyncset.done $0x0  }
0x15e: {  	[sflag:s26] =	ssyncadd.s32 $0xFFFFFC00  }
0x15f: {  	_ =	swait.ge [sflag:s26], $0x400  }
0x160: {  	[sflag:s26] =	ssyncset.done $0x0  }
0x161: {  	s28 =	sadd.s32 $0x1, s28;
	[sflag:s26] =	ssyncadd.s32 $0xFFFFFC00  }
0x162: {  	p0 =	sne.s32 s28, s14;
	_ =	swait.ge [sflag:s26], $0x400  }
.Ltmp2:
0x163: {  	[sflag:s26] =	ssyncset.done $0x0;
	(pc) =	sbr.rel @p0 .LBB2_1-.Ltmp2, $4  }
0x164: {  	[sflag:s26] =	ssyncadd.s32 $0xFFFFFC00  }
0x165: {  	_ =	swait.ge [sflag:s26], $0x400  }
0x166: {  	[sflag:s26] =	ssyncset.done $0x0  }
0x167: {  	[sflag:s26] =	ssyncadd.s32 $0xFFFFFC00  }
0x168: {  	_ =	sfence.sel $0x180000  }
0x169: {  	[bflag:$0x0] =	sbarrier.arrive $0xFFFF  }
0x16a: {  	_ =	strace $0x90000047  }
0x16b: {  	s0 =	stileid.u32;
	[bflag:$0x2] =	sbarrier.arrive $0xFFFF  }
0x16c: {  	p0 =	sne.s32 s0, $0x0;
	s0 =	rddreg [dreg:$0x2]  }
0x16d: {  	s0 =	sadd.s32 @!p0 $0x100000, s0  }
0x16e: {  	[sflag:s0] =	ssyncadd.tile.s32 @!p0 $0x1;
	_ =	shalt  }
.Lfunc_end2:
_tile_overlayer_lowered:
.L_overlay_start_2:
0x16f: {  	(tag) =	ssettag $0x2  }
0x170: {  	s0 =	rddreg [dreg:$0x0];
	s2 =	stileid.u32  }
0x171: {  	s1 =	rddreg [dreg:$0x1];
	p0 =	sne.s32 s2, $0x0  }
0x172: {  	s3 =	rddreg [dreg:$0x2];
	[bflag:$0x3] =	sbarrier.arrive $0xFFFF;
	s2 =	simm.s32 @!p0 $0x1C10  }
0x173: {  	[timem:s3], [sflag:s2] =	dma.local @!p0 [hbm:s0], s1  }
0x174: {  	s0 =	simm.s32 @!p0 $0x10  }
0x175: {  	_ =	swait.ge @!p0 [sflag:s0], s1  }
0x176: {  	s1 =	ssub.s32 @!p0 $0x0, s1;
	[sflag:s0] =	ssyncset.done @!p0 $0x0  }
0x177: {  	[sflag:s0] =	ssyncadd.s32 @!p0 s1  }
0x178: {  	[bflag:$0x3] =	sbarrier.arrive $0xFFFF  }
0x179: {  	_ =	shalt  }

</sc_bundles>
